<compile_context>
chip_gen: v7x
topology: tpu7x:2x2x1
jax: 0.10.2.dev20260603
libtpu: 0.0.44.dev20260713+nightly
codegen_flags: <defaults>
</compile_context>

<pallas_src>
import functools

import jax
import jax.numpy as jnp
from jax import lax
from jax.experimental import pallas as pl
from jax.experimental.pallas import tpu as pltpu
from jax.experimental.pallas import tpu_sc as plsc

KNN = 6
CN = 128
NVP = 10496
JP = 64
FR = 128
PAD_COORD = 1.0e18
BIG = 3.0e38

SC_CORES = 2
SC_SUBCORES = 16
NW = SC_CORES * SC_SUBCORES
GROW = 128


def _knn_body(x_ref, cam_ref, pvt_ref, posed_ref, dist_ref, idx_ref):
    scale = cam_ref[0, 0, 0]
    tx = cam_ref[0, 0, 1]
    ty = cam_ref[0, 0, 2]
    xb = x_ref[0]
    ax1 = lax.broadcasted_iota(jnp.int32, (CN, 3), 1)
    tvec = jnp.where(ax1 == 0, tx, jnp.where(ax1 == 1, ty, 0.0))
    q = xb / scale - tvec
    posed_ref[0] = q
    pvt = pvt_ref[0]
    p2 = jnp.sum(pvt * pvt, axis=0)
    qq = jnp.sum(q * q, axis=1)
    s = (qq[:, None] + p2[None, :]
         - 2.0 * jnp.dot(q, pvt, preferred_element_type=jnp.float32))
    s = jnp.maximum(s, 0.0)
    col = lax.broadcasted_iota(jnp.int32, (CN, NVP), 1)
    for k in range(KNN):
        m = jnp.min(s, axis=1, keepdims=True)
        eq = s == m
        im = jnp.min(jnp.where(eq, col, NVP), axis=1, keepdims=True)
        dist_ref[0, :, k] = m[:, 0]
        idx_ref[0, :, k] = im[:, 0]
        if k + 1 < KNN:
            s = jnp.where(eq, BIG, s)


def _gather_body(tab_hbm, idx_hbm, out_hbm, idx_v, rows_v, sem):
    wid = lax.axis_index("s") * SC_CORES + lax.axis_index("c")
    per_w = idx_v.shape[0]
    base = pl.multiple_of(wid * per_w, 8)
    pltpu.sync_copy(idx_hbm.at[pl.ds(base, per_w)], idx_v)

    def step(i, carry):
        o = pl.multiple_of(i * GROW, 8)
        cp = pltpu.async_copy(tab_hbm.at[idx_v.at[pl.ds(o, GROW)]],
                              rows_v, sem)
        cp.wait()
        dst = pl.multiple_of(base + o, 8)
        pltpu.sync_copy(rows_v, out_hbm.at[pl.ds(dst, GROW)])
        return carry

    lax.fori_loop(0, per_w // GROW, step, 0)


def _combine_body(rows_ref, dist_ref, posed_ref, out_ref):
    rows = rows_ref[...]
    dist = dist_ref[...]
    p = posed_ref[...]
    l0 = rows[:, 0:JP]
    ws = []
    for k in range(KNN):
        if k == 0:
            conf = jnp.ones((rows.shape[0],), jnp.float32)
        else:
            s = jnp.sum(jnp.abs(rows[:, k * FR:k * FR + JP] - l0), axis=1)
            conf = (jnp.exp(-s / 0.02) > 0.9).astype(jnp.float32)
        ws.append(jnp.exp(-dist[:, k]) * conf)
    wsum = ws[0] + ws[1] + ws[2] + ws[3] + ws[4] + ws[5]
    t = jnp.zeros((rows.shape[0], 16), jnp.float32)
    for k in range(KNN):
        wn = (ws[k] / wsum)[:, None]
        t = t + wn * rows[:, k * FR + JP:k * FR + JP + 16]
    outs = []
    for i in range(3):
        outs.append((t[:, 4 * i] * p[:, 0] + t[:, 4 * i + 1] * p[:, 1]
                     + t[:, 4 * i + 2] * p[:, 2] + t[:, 4 * i + 3])[:, None])
    out_ref[...] = jnp.concatenate(outs, axis=1)


def kernel(x, cam, lbs_weights, verts_transform, posed_verts):
    B, N, _ = x.shape
    Nv, J = lbs_weights.shape
    M = B * N
    M6 = M * KNN

    pv = jnp.pad(posed_verts, ((0, 0), (0, NVP - Nv), (0, 0)),
                 constant_values=PAD_COORD)
    pvt = pv.transpose(0, 2, 1)

    posed, dists, idx = pl.pallas_call(
        _knn_body,
        grid=(B, N // CN),
        in_specs=[
            pl.BlockSpec((1, CN, 3), lambda b, c: (b, c, 0)),
            pl.BlockSpec((1, 1, 3), lambda b, c: (b, 0, 0)),
            pl.BlockSpec((1, 3, NVP), lambda b, c: (b, 0, 0)),
        ],
        out_specs=[
            pl.BlockSpec((1, CN, 3), lambda b, c: (b, c, 0)),
            pl.BlockSpec((1, CN, KNN), lambda b, c: (b, c, 0)),
            pl.BlockSpec((1, CN, KNN), lambda b, c: (b, c, 0)),
        ],
        out_shape=[
            jax.ShapeDtypeStruct((B, N, 3), jnp.float32),
            jax.ShapeDtypeStruct((B, N, KNN), jnp.float32),
            jax.ShapeDtypeStruct((B, N, KNN), jnp.int32),
        ],
    )(x, cam.reshape(B, 1, 3), pvt)

    off = (jnp.arange(B, dtype=jnp.int32) * Nv)[:, None, None]
    idx_t = (idx + off).reshape(-1)
    lbs_pad = jnp.pad(lbs_weights, ((0, 0), (0, JP - J)))
    fused = jnp.concatenate(
        [jnp.broadcast_to(lbs_pad[None], (B, Nv, JP)),
         verts_transform.reshape(B, Nv, 16),
         jnp.zeros((B, Nv, FR - JP - 16), jnp.float32)],
        axis=-1).reshape(B * Nv, FR)

    per_w = M6 // NW
    mesh = plsc.VectorSubcoreMesh(core_axis_name="c", subcore_axis_name="s")
    gather = functools.partial(
        pl.kernel,
        mesh=mesh,
        out_type=jax.ShapeDtypeStruct((M6, FR), jnp.float32),
        scratch_types=[
            pltpu.VMEM((per_w,), jnp.int32),
            pltpu.VMEM((GROW, FR), jnp.float32),
            pltpu.SemaphoreType.DMA,
        ],
    )(_gather_body)
    rows = gather(fused, idx_t)

    BLK = 1024
    cano = pl.pallas_call(
        _combine_body,
        grid=(M // BLK,),
        in_specs=[
            pl.BlockSpec((BLK, KNN * FR), lambda i: (i, 0)),
            pl.BlockSpec((BLK, KNN), lambda i: (i, 0)),
            pl.BlockSpec((BLK, 3), lambda i: (i, 0)),
        ],
        out_specs=pl.BlockSpec((BLK, 3), lambda i: (i, 0)),
        out_shape=jax.ShapeDtypeStruct((M, 3), jnp.float32),
    )(rows.reshape(M, KNN * FR), dists.reshape(M, KNN), posed.reshape(M, 3))
    return cano.reshape(B, N, 3)

# --- scband reference (transcript-rebuilt; emitter-appended) ---
"""Pipeline reference for scband-back-deform-field-43087111914132 (READ-ONLY COPY).

The authoritative reference and input builder live on the scoring server;
editing this copy changes nothing except your own understanding.
"""

import jax, jax.numpy as jnp
import numpy as np

K = 6
CHUNK = 2048


def batch_orth_proj_inv(points, cam):
    # inverse orthographic projection: cam = [scale, tx, ty]
    scale = cam[:, 0:1][:, None, :]
    trans = cam[:, 1:3][:, None, :]
    xy = points[..., :2] / scale - trans
    z = points[..., 2:] / scale
    return jnp.concatenate([xy, z], axis=-1)


def knn(posed_x, posed_verts, k):
    B, N, _ = posed_x.shape
    p2 = jnp.sum(posed_verts * posed_verts, axis=-1)  # [B, Nv]
    nchunks = N // CHUNK
    qs = posed_x.reshape(B, nchunks, CHUNK, 3).transpose(1, 0, 2, 3)  # [nchunks, B, C, 3]

    def per_batch(q, p, p2b):
        d2 = jnp.sum(q * q, axis=-1)[:, None] + p2b[None, :] - 2.0 * (q @ p.T)
        d2 = jnp.maximum(d2, 0.0)
        neg, idx = jax.lax.top_k(-d2, k)
        return -neg, idx

    def f(qc):
        return jax.vmap(per_batch, in_axes=(0, 0, 0))(qc, posed_verts, p2)

    d_ch, i_ch = jax.lax.map(f, qs)  # [nchunks, B, C, k]
    dists = d_ch.transpose(1, 0, 2, 3).reshape(B, N, k)
    idx = i_ch.transpose(1, 0, 2, 3).reshape(B, N, k)
    return dists, idx


def batch_index_select(data, inds):
    # data [B, Nv, ...], inds [B, N, K] -> [B, N, K, ...]
    return jax.vmap(lambda d, i: d[i])(data, inds)


def smplx_lbsmap_top_k(lbs_weights, verts_transform, points, template_points, k):
    dists, idxs = knn(points, template_points, k)
    # torch version computes knn under no_grad
    dists = jax.lax.stop_gradient(dists)
    weight_std = 0.1
    weight_std2 = 2.0 * weight_std ** 2
    xyz_neighbs_lbs_weight = lbs_weights[idxs]  # [B, N, K, J]
    conf = jnp.exp(-jnp.sum(jnp.abs(xyz_neighbs_lbs_weight - xyz_neighbs_lbs_weight[..., 0:1, :]), axis=-1) / weight_std2)
    conf = (conf > 0.9).astype(jnp.float32)
    w = jnp.exp(-dists) * conf
    w = w / jnp.sum(w, axis=-1, keepdims=True)
    t_n = batch_index_select(verts_transform, idxs)  # [B, N, K, 4, 4]
    xyz_transform = jnp.sum(w[..., None, None] * t_n, axis=2)  # [B, N, 4, 4]
    xyz_dist = jnp.sum(w * dists, axis=2, keepdims=True)
    return xyz_dist, xyz_transform


def batch_transform(T, points):
    R = T[..., :3, :3]
    t = T[..., :3, 3]
    return jnp.einsum('bnij,bnj->bni', R, points) + t


def setup_inputs(seed: int = 0):
    key = jax.random.key(seed)
    ks = jax.random.split(key, 5)
    B, N, Nv, J = 2, 16384, 10475, 55
    x = jax.random.normal(ks[0], (B, N, 3), dtype=jnp.float32)
    cam = jax.random.uniform(ks[1], (B, 3), dtype=jnp.float32)
    cam = cam.at[:, 0].add(1.0)  # keep scale away from zero
    lbs_weights = jax.random.uniform(ks[2], (Nv, J), dtype=jnp.float32)
    lbs_weights = lbs_weights / jnp.sum(lbs_weights, axis=-1, keepdims=True)
    verts_transform = jax.random.normal(ks[3], (B, Nv, 4, 4), dtype=jnp.float32)
    posed_verts = jax.random.normal(ks[4], (B, Nv, 3), dtype=jnp.float32)
    return {"x": x, "cam": cam, "lbs_weights": lbs_weights, "verts_transform": verts_transform, "posed_verts": posed_verts}


def reference(x, cam, lbs_weights, verts_transform, posed_verts):
    posed_x = batch_orth_proj_inv(x, cam)
    x_dist, x_transform = smplx_lbsmap_top_k(lbs_weights, verts_transform, posed_x, posed_verts, K)
    cano_x = batch_transform(x_transform, posed_x)
    return cano_x

if __name__ == "__main__":
    import jax
    _d = setup_inputs()
    print(jax.jit(kernel)(*tuple(_d.values())))

</pallas_src>

<mosaic_0001>
#map = affine_map<(d0, d1) -> (0, 0)>
#map1 = affine_map<(d0, d1) -> (0)>
module attributes {stable_mosaic.version = 14 : i64} {
  func.func @_gather_body(%arg0: i32, %arg1: i32, %arg2: memref<20950x128xf32, #tpu.memory_space<hbm>>, %arg3: memref<196608xi32, #tpu.memory_space<hbm>>, %arg4: memref<196608x128xf32, #tpu.memory_space<hbm>>, %arg5: memref<6144xi32, #tpu.memory_space<vmem>>, %arg6: memref<128x128xf32, #tpu.memory_space<vmem>>, %arg7: memref<!tpu.dma_semaphore, #tpu.memory_space<semaphore_mem>>) attributes {dimension_semantics = [#tpu.dimension_semantics<core_parallel>, #tpu.dimension_semantics<subcore_parallel>], iteration_bounds = array<i64: 2, 16>, scalar_prefetch = 0 : i64, scratch_operands = 3 : i64, tpu.core_type = #tpu.core_type<sc_vector_subcore>, window_params = [{transform_indices = #map}, {transform_indices = #map1}, {transform_indices = #map}]} {
    %mul3A = arith.constant 2 : i32
    %mul3A_0 = arith.muli %arg1, %mul3A : i32
    %add3A = arith.addi %mul3A_0, %arg0 : i32
    %mul3A_1 = arith.constant 6144 : i32
    %mul3A_2 = arith.muli %add3A, %mul3A_1 : i32
    %multiple_of3A = tpu.assume_multiple %mul3A_2, 8 : i32
    "tpu.region"() ({
      %run_scoped3A = tpu.sem_alloc : memref<!tpu.dma_semaphore, #tpu.memory_space<semaphore_mem>>
      %dma_start3A = tpu.memref_slice %arg3[%multiple_of3A] : memref<196608xi32, #tpu.memory_space<hbm>> -> memref<6144xi32, #tpu.memory_space<hbm>>
      %dma_start3A_8 = tpu.memref_slice %arg3[%multiple_of3A] : memref<196608xi32, #tpu.memory_space<hbm>> -> memref<6144xi32, #tpu.memory_space<hbm>>
      tpu.enqueue_dma source(%dma_start3A_8 : memref<6144xi32, #tpu.memory_space<hbm>>) target(%arg5 : memref<6144xi32, #tpu.memory_space<vmem>>) target_semaphore(%run_scoped3A : memref<!tpu.dma_semaphore, #tpu.memory_space<semaphore_mem>>)
      %dma_wait3A = tpu.memref_slice %arg3[%multiple_of3A] : memref<196608xi32, #tpu.memory_space<hbm>> -> memref<6144xi32, #tpu.memory_space<hbm>>
      %dma_wait3A_9 = tpu.memref_slice %arg3[%multiple_of3A] : memref<196608xi32, #tpu.memory_space<hbm>> -> memref<6144xi32, #tpu.memory_space<hbm>>
      tpu.wait_dma2 semaphore(%run_scoped3A : memref<!tpu.dma_semaphore, #tpu.memory_space<semaphore_mem>>) src(%dma_wait3A_9 : memref<6144xi32, #tpu.memory_space<hbm>>) dst(%arg5 : memref<6144xi32, #tpu.memory_space<vmem>>)
      tpu.yield
    }) : () -> ()
    %scan3A = arith.constant 0 : i32
    %scan3A_3 = arith.constant 0 : i32
    %scan3A_4 = arith.constant 48 : i32
    %scan3A_5 = arith.addi %scan3A_3, %scan3A_4 : i32
    %scan3A_6 = arith.constant 1 : i32
    scf.for %scan3A_8 = %scan3A_3 to %scan3A_5 step %scan3A_6  : i32 {
      %mul3A_9 = arith.constant 128 : i32
      %mul3A_10 = arith.muli %scan3A_8, %mul3A_9 : i32
      %multiple_of3A_11 = tpu.assume_multiple %mul3A_10, 8 : i32
      %dma_start3A = tpu.memref_slice %arg5[%multiple_of3A_11] : memref<6144xi32, #tpu.memory_space<vmem>> -> memref<128xi32, #tpu.memory_space<vmem>>
      %dma_start3A_12 = arith.constant 0 : i32
      %dma_start3A_13 = arith.constant 0 : i32
      %dma_start3A_14 = tpu.memref_slice %arg2[%dma_start3A_12, %dma_start3A_13] : memref<20950x128xf32, #tpu.memory_space<hbm>> -> memref<20950x128xf32, #tpu.memory_space<hbm>>
      tpu.enqueue_indirect_dma source(%dma_start3A_14 : memref<20950x128xf32, #tpu.memory_space<hbm>>) target(%arg6 : memref<128x128xf32, #tpu.memory_space<vmem>>) offsets(%dma_start3A : memref<128xi32, #tpu.memory_space<vmem>>) semaphore(%arg7 : memref<!tpu.dma_semaphore, #tpu.memory_space<semaphore_mem>>)
      %dma_wait3A = tpu.memref_slice %arg5[%multiple_of3A_11] : memref<6144xi32, #tpu.memory_space<vmem>> -> memref<128xi32, #tpu.memory_space<vmem>>
      %dma_wait3A_15 = arith.constant 0 : i32
      %dma_wait3A_16 = arith.constant 0 : i32
      %dma_wait3A_17 = tpu.memref_slice %arg2[%dma_wait3A_15, %dma_wait3A_16] : memref<20950x128xf32, #tpu.memory_space<hbm>> -> memref<20950x128xf32, #tpu.memory_space<hbm>>
      tpu.wait_indirect_dma semaphore(%arg7 : memref<!tpu.dma_semaphore, #tpu.memory_space<semaphore_mem>>) src(%dma_wait3A_17 : memref<20950x128xf32, #tpu.memory_space<hbm>>) dst(%arg6 : memref<128x128xf32, #tpu.memory_space<vmem>>)
      %add3A_18 = arith.addi %multiple_of3A, %multiple_of3A_11 : i32
      %multiple_of3A_19 = tpu.assume_multiple %add3A_18, 8 : i32
      "tpu.region"() ({
        %run_scoped3A = tpu.sem_alloc : memref<!tpu.dma_semaphore, #tpu.memory_space<semaphore_mem>>
        %dma_start3A_20 = arith.constant 0 : i32
        %dma_start3A_21 = tpu.memref_slice %arg4[%multiple_of3A_19, %dma_start3A_20] : memref<196608x128xf32, #tpu.memory_space<hbm>> -> memref<128x128xf32, #tpu.memory_space<hbm>>
        %dma_start3A_22 = arith.constant 0 : i32
        %dma_start3A_23 = tpu.memref_slice %arg4[%multiple_of3A_19, %dma_start3A_22] : memref<196608x128xf32, #tpu.memory_space<hbm>> -> memref<128x128xf32, #tpu.memory_space<hbm>>
        tpu.enqueue_dma source(%arg6 : memref<128x128xf32, #tpu.memory_space<vmem>>) target(%dma_start3A_23 : memref<128x128xf32, #tpu.memory_space<hbm>>) target_semaphore(%run_scoped3A : memref<!tpu.dma_semaphore, #tpu.memory_space<semaphore_mem>>)
        %dma_wait3A_24 = arith.constant 0 : i32
        %dma_wait3A_25 = tpu.memref_slice %arg4[%multiple_of3A_19, %dma_wait3A_24] : memref<196608x128xf32, #tpu.memory_space<hbm>> -> memref<128x128xf32, #tpu.memory_space<hbm>>
        %dma_wait3A_26 = arith.constant 0 : i32
        %dma_wait3A_27 = tpu.memref_slice %arg4[%multiple_of3A_19, %dma_wait3A_26] : memref<196608x128xf32, #tpu.memory_space<hbm>> -> memref<128x128xf32, #tpu.memory_space<hbm>>
        tpu.wait_dma2 semaphore(%run_scoped3A : memref<!tpu.dma_semaphore, #tpu.memory_space<semaphore_mem>>) src(%arg6 : memref<128x128xf32, #tpu.memory_space<vmem>>) dst(%dma_wait3A_27 : memref<128x128xf32, #tpu.memory_space<hbm>>)
        tpu.yield
      }) : () -> ()
    }
    %scan3A_7 = arith.constant 48 : i32
    return
  }
}

module attributes {stable_mosaic.version = 14 : i64} {
  func.func @_knn_body(%arg0: i32, %arg1: i32, %arg2: memref<1x128x3xf32, #tpu.memory_space<vmem>>, %arg3: memref<1x1x3xf32, #tpu.memory_space<vmem>>, %arg4: memref<1x3x10496xf32, #tpu.memory_space<vmem>>, %arg5: memref<1x128x3xf32, #tpu.memory_space<vmem>>, %arg6: memref<1x128x6xf32, #tpu.memory_space<vmem>>, %arg7: memref<1x128x6xi32, #tpu.memory_space<vmem>>) attributes {dimension_semantics = [#tpu.dimension_semantics<arbitrary>, #tpu.dimension_semantics<arbitrary>], iteration_bounds = array<i64: 2, 128>, scalar_prefetch = 0 : i64, scratch_operands = 0 : i64, tpu.core_type = #tpu.core_type<tc>, window_params = [{transform_indices = @transform_0, window_bounds = array<i64: 1, 128, 3>}, {transform_indices = @transform_1, window_bounds = array<i64: 1, 1, 3>}, {transform_indices = @transform_2, window_bounds = array<i64: 1, 3, 10496>}, {transform_indices = @transform_3, window_bounds = array<i64: 1, 128, 3>}, {transform_indices = @transform_4, window_bounds = array<i64: 1, 128, 6>}, {transform_indices = @transform_5, window_bounds = array<i64: 1, 128, 6>}]} {
    %get3A = arith.constant 0 : index
    %get3A_0 = arith.constant 0 : index
    %get3A_1 = arith.constant 0 : index
    %get3A_2 = vector.load %arg3[%get3A, %get3A_0, %get3A_1] : memref<1x1x3xf32, #tpu.memory_space<vmem>>, vector<1x1x1xf32>
    %get3A_3 = vector.extract %get3A_2[0, 0, 0] : f32 from vector<1x1x1xf32>
    %get3A_4 = arith.constant 0 : index
    %get3A_5 = arith.constant 0 : index
    %get3A_6 = arith.constant 1 : index
    %get3A_7 = vector.load %arg3[%get3A_4, %get3A_5, %get3A_6] : memref<1x1x3xf32, #tpu.memory_space<vmem>>, vector<1x1x1xf32>
    %get3A_8 = vector.extract %get3A_7[0, 0, 0] : f32 from vector<1x1x1xf32>
    %get3A_9 = arith.constant 0 : index
    %get3A_10 = arith.constant 0 : index
    %get3A_11 = arith.constant 2 : index
    %get3A_12 = vector.load %arg3[%get3A_9, %get3A_10, %get3A_11] : memref<1x1x3xf32, #tpu.memory_space<vmem>>, vector<1x1x1xf32>
    %get3A_13 = vector.extract %get3A_12[0, 0, 0] : f32 from vector<1x1x1xf32>
    %get3A_14 = arith.constant 0 : index
    %get3A_15 = arith.constant 0 : index
    %get3A_16 = arith.constant 0 : index
    %get3A_17 = vector.load %arg2[%get3A_14, %get3A_15, %get3A_16] : memref<1x128x3xf32, #tpu.memory_space<vmem>>, vector<1x128x3xf32>
    %get3A_18 = vector.shape_cast %get3A_17 : vector<1x128x3xf32> to vector<128x3xf32>
    %iota3A = tpu.iota {dimensions = array<i32: 1>} : vector<128x3xi32>
    %eq3A = arith.constant 0 : i32
    %eq3A_19 = vector.broadcast %eq3A : i32 to vector<128x3xi32>
    %eq3A_20 = arith.cmpi eq, %iota3A, %eq3A_19 : vector<128x3xi32>
    %eq3A_21 = arith.constant 1 : i32
    %eq3A_22 = vector.broadcast %eq3A_21 : i32 to vector<128x3xi32>
    %eq3A_23 = arith.cmpi eq, %iota3A, %eq3A_22 : vector<128x3xi32>
    %jit3A = arith.constant 0.000000e+00 : f32
    %broadcast_in_dim3A = vector.broadcast %get3A_13 : f32 to vector<128x3xf32>
    %broadcast_in_dim3A_24 = vector.broadcast %jit3A : f32 to vector<128x3xf32>
    %select_n3A = arith.select %eq3A_23, %broadcast_in_dim3A, %broadcast_in_dim3A_24 : vector<128x3xi1>, vector<128x3xf32>
    %broadcast_in_dim3A_25 = vector.broadcast %get3A_8 : f32 to vector<128x3xf32>
    %select_n3A_26 = arith.select %eq3A_20, %broadcast_in_dim3A_25, %select_n3A : vector<128x3xi1>, vector<128x3xf32>
    %div3A = vector.broadcast %get3A_3 : f32 to vector<128x3xf32>
    %div3A_27 = arith.divf %get3A_18, %div3A : vector<128x3xf32>
    %sub3A = arith.subf %div3A_27, %select_n3A_26 : vector<128x3xf32>
    %swap3A = arith.constant 0 : index
    %swap3A_28 = arith.constant 0 : index
    %swap3A_29 = arith.constant 0 : index
    %swap3A_30 = vector.load %arg5[%swap3A, %swap3A_28, %swap3A_29] : memref<1x128x3xf32, #tpu.memory_space<vmem>>, vector<1x128x3xf32>
    %swap3A_31 = vector.shape_cast %swap3A_30 : vector<1x128x3xf32> to vector<128x3xf32>
    %swap3A_32 = vector.shape_cast %sub3A : vector<128x3xf32> to vector<1x128x3xf32>
    tpu.vector_store %arg5[%swap3A, %swap3A_28, %swap3A_29], %swap3A_32 {strides = array<i32>} : memref<1x128x3xf32, #tpu.memory_space<vmem>>, vector<1x128x3xf32>,
    %get3A_33 = arith.constant 0 : index
    %get3A_34 = arith.constant 0 : index
    %get3A_35 = arith.constant 0 : index
    %get3A_36 = vector.load %arg4[%get3A_33, %get3A_34, %get3A_35] : memref<1x3x10496xf32, #tpu.memory_space<vmem>>, vector<1x3x10496xf32>
    %get3A_37 = vector.shape_cast %get3A_36 : vector<1x3x10496xf32> to vector<3x10496xf32>
    %mul3A = arith.mulf %get3A_37, %get3A_37 : vector<3x10496xf32>
    %reduce_sum3A = arith.constant dense<0.000000e+00> : vector<10496xf32>
    %reduce_sum3A_38 = vector.multi_reduction <add>, %mul3A, %reduce_sum3A [0] : vector<3x10496xf32> to vector<10496xf32>
    %mul3A_39 = arith.mulf %sub3A, %sub3A : vector<128x3xf32>
    %reduce_sum3A_40 = arith.constant dense<0.000000e+00> : vector<128xf32>
    %reduce_sum3A_41 = vector.multi_reduction <add>, %mul3A_39, %reduce_sum3A_40 [1] : vector<128x3xf32> to vector<128xf32>
    %broadcast_in_dim3A_42 = vector.shape_cast %reduce_sum3A_41 : vector<128xf32> to vector<128x1xf32>
    %broadcast_in_dim3A_43 = vector.shape_cast %reduce_sum3A_38 : vector<10496xf32> to vector<1x10496xf32>
    %add3A = vector.broadcast %broadcast_in_dim3A_42 : vector<128x1xf32> to vector<128x10496xf32>
    %add3A_44 = vector.broadcast %broadcast_in_dim3A_43 : vector<1x10496xf32> to vector<128x10496xf32>
    %add3A_45 = arith.addf %add3A, %add3A_44 : vector<128x10496xf32>
    %dot_general3A = arith.constant dense<0.000000e+00> : vector<128x10496xf32>
    %dot_general3A_46 = tpu.matmul %sub3A, %get3A_37, %dot_general3A {dimension_numbers = #tpu.dot_dimension_numbers<[1], [0], [0], [1], [0, 0, 1, 1], [], []>, transpose_lhs_hint = false} : vector<128x3xf32>, vector<3x10496xf32>, vector<128x10496xf32> -> vector<128x10496xf32>
    %mul3A_47 = arith.constant 2.000000e+00 : f32
    %mul3A_48 = vector.broadcast %mul3A_47 : f32 to vector<128x10496xf32>
    %mul3A_49 = arith.mulf %mul3A_48, %dot_general3A_46 : vector<128x10496xf32>
    %sub3A_50 = arith.subf %add3A_45, %mul3A_49 : vector<128x10496xf32>
    %max3A = arith.constant 0.000000e+00 : f32
    %max3A_51 = vector.broadcast %max3A : f32 to vector<128x10496xf32>
    %max3A_52 = arith.maximumf %sub3A_50, %max3A_51 : vector<128x10496xf32>
    %iota3A_53 = tpu.iota {dimensions = array<i32: 1>} : vector<128x10496xi32>
    %reduce_min3A = arith.constant dense<0x7F800000> : vector<128xf32>
    %reduce_min3A_54 = vector.multi_reduction <minimumf>, %max3A_52, %reduce_min3A [1] : vector<128x10496xf32> to vector<128xf32>
    %broadcast_in_dim3A_55 = vector.shape_cast %reduce_min3A_54 : vector<128xf32> to vector<128x1xf32>
    %eq3A_56 = vector.broadcast %broadcast_in_dim3A_55 : vector<128x1xf32> to vector<128x10496xf32>
    %eq3A_57 = arith.cmpf oeq, %max3A_52, %eq3A_56 : vector<128x10496xf32>
    %jit3A_58 = arith.constant 10496 : i32
    %broadcast_in_dim3A_59 = vector.broadcast %jit3A_58 : i32 to vector<128x10496xi32>
    %select_n3A_60 = arith.select %eq3A_57, %iota3A_53, %broadcast_in_dim3A_59 : vector<128x10496xi1>, vector<128x10496xi32>
    %reduce_min3A_61 = arith.constant dense<2147483647> : vector<128xi32>
    %reduce_min3A_62 = vector.multi_reduction <minsi>, %select_n3A_60, %reduce_min3A_61 [1] : vector<128x10496xi32> to vector<128xi32>
    %broadcast_in_dim3A_63 = vector.shape_cast %reduce_min3A_62 : vector<128xi32> to vector<128x1xi32>
    %squeeze3A = vector.shape_cast %broadcast_in_dim3A_55 : vector<128x1xf32> to vector<128xf32>
    %swap3A_64 = arith.constant 0 : index
    %swap3A_65 = arith.constant 0 : index
    %swap3A_66 = arith.constant 0 : index
    %swap3A_67 = vector.load %arg6[%swap3A_64, %swap3A_65, %swap3A_66] : memref<1x128x6xf32, #tpu.memory_space<vmem>>, vector<1x128x1xf32>
    %swap3A_68 = vector.shape_cast %swap3A_67 : vector<1x128x1xf32> to vector<128xf32>
    %swap3A_69 = vector.shape_cast %squeeze3A : vector<128xf32> to vector<1x128x1xf32>
    tpu.vector_store %arg6[%swap3A_64, %swap3A_65, %swap3A_66], %swap3A_69 {strides = array<i32>} : memref<1x128x6xf32, #tpu.memory_space<vmem>>, vector<1x128x1xf32>,
    %squeeze3A_70 = vector.shape_cast %broadcast_in_dim3A_63 : vector<128x1xi32> to vector<128xi32>
    %swap3A_71 = arith.constant 0 : index
    %swap3A_72 = arith.constant 0 : index
    %swap3A_73 = arith.constant 0 : index
    %swap3A_74 = vector.load %arg7[%swap3A_71, %swap3A_72, %swap3A_73] : memref<1x128x6xi32, #tpu.memory_space<vmem>>, vector<1x128x1xi32>
    %swap3A_75 = vector.shape_cast %swap3A_74 : vector<1x128x1xi32> to vector<128xi32>
    %swap3A_76 = vector.shape_cast %squeeze3A_70 : vector<128xi32> to vector<1x128x1xi32>
    tpu.vector_store %arg7[%swap3A_71, %swap3A_72, %swap3A_73], %swap3A_76 {strides = array<i32>} : memref<1x128x6xi32, #tpu.memory_space<vmem>>, vector<1x128x1xi32>,
    %jit3A_77 = arith.constant 3.000000e+38 : f32
    %broadcast_in_dim3A_78 = vector.broadcast %jit3A_77 : f32 to vector<128x10496xf32>
    %select_n3A_79 = arith.select %eq3A_57, %broadcast_in_dim3A_78, %max3A_52 : vector<128x10496xi1>, vector<128x10496xf32>
    %reduce_min3A_80 = arith.constant dense<0x7F800000> : vector<128xf32>
    %reduce_min3A_81 = vector.multi_reduction <minimumf>, %select_n3A_79, %reduce_min3A_80 [1] : vector<128x10496xf32> to vector<128xf32>
    %broadcast_in_dim3A_82 = vector.shape_cast %reduce_min3A_81 : vector<128xf32> to vector<128x1xf32>
    %eq3A_83 = vector.broadcast %broadcast_in_dim3A_82 : vector<128x1xf32> to vector<128x10496xf32>
    %eq3A_84 = arith.cmpf oeq, %select_n3A_79, %eq3A_83 : vector<128x10496xf32>
    %jit3A_85 = arith.constant 10496 : i32
    %broadcast_in_dim3A_86 = vector.broadcast %jit3A_85 : i32 to vector<128x10496xi32>
    %select_n3A_87 = arith.select %eq3A_84, %iota3A_53, %broadcast_in_dim3A_86 : vector<128x10496xi1>, vector<128x10496xi32>
    %reduce_min3A_88 = arith.constant dense<2147483647> : vector<128xi32>
    %reduce_min3A_89 = vector.multi_reduction <minsi>, %select_n3A_87, %reduce_min3A_88 [1] : vector<128x10496xi32> to vector<128xi32>
    %broadcast_in_dim3A_90 = vector.shape_cast %reduce_min3A_89 : vector<128xi32> to vector<128x1xi32>
    %squeeze3A_91 = vector.shape_cast %broadcast_in_dim3A_82 : vector<128x1xf32> to vector<128xf32>
    %swap3A_92 = arith.constant 0 : index
    %swap3A_93 = arith.constant 0 : index
    %swap3A_94 = arith.constant 1 : index
    %swap3A_95 = vector.load %arg6[%swap3A_92, %swap3A_93, %swap3A_94] : memref<1x128x6xf32, #tpu.memory_space<vmem>>, vector<1x128x1xf32>
    %swap3A_96 = vector.shape_cast %swap3A_95 : vector<1x128x1xf32> to vector<128xf32>
    %swap3A_97 = vector.shape_cast %squeeze3A_91 : vector<128xf32> to vector<1x128x1xf32>
    tpu.vector_store %arg6[%swap3A_92, %swap3A_93, %swap3A_94], %swap3A_97 {strides = array<i32>} : memref<1x128x6xf32, #tpu.memory_space<vmem>>, vector<1x128x1xf32>,
    %squeeze3A_98 = vector.shape_cast %broadcast_in_dim3A_90 : vector<128x1xi32> to vector<128xi32>
    %swap3A_99 = arith.constant 0 : index
    %swap3A_100 = arith.constant 0 : index
    %swap3A_101 = arith.constant 1 : index
    %swap3A_102 = vector.load %arg7[%swap3A_99, %swap3A_100, %swap3A_101] : memref<1x128x6xi32, #tpu.memory_space<vmem>>, vector<1x128x1xi32>
    %swap3A_103 = vector.shape_cast %swap3A_102 : vector<1x128x1xi32> to vector<128xi32>
    %swap3A_104 = vector.shape_cast %squeeze3A_98 : vector<128xi32> to vector<1x128x1xi32>
    tpu.vector_store %arg7[%swap3A_99, %swap3A_100, %swap3A_101], %swap3A_104 {strides = array<i32>} : memref<1x128x6xi32, #tpu.memory_space<vmem>>, vector<1x128x1xi32>,
    %jit3A_105 = arith.constant 3.000000e+38 : f32
    %broadcast_in_dim3A_106 = vector.broadcast %jit3A_105 : f32 to vector<128x10496xf32>
    %select_n3A_107 = arith.select %eq3A_84, %broadcast_in_dim3A_106, %select_n3A_79 : vector<128x10496xi1>, vector<128x10496xf32>
    %reduce_min3A_108 = arith.constant dense<0x7F800000> : vector<128xf32>
    %reduce_min3A_109 = vector.multi_reduction <minimumf>, %select_n3A_107, %reduce_min3A_108 [1] : vector<128x10496xf32> to vector<128xf32>
    %broadcast_in_dim3A_110 = vector.shape_cast %reduce_min3A_109 : vector<128xf32> to vector<128x1xf32>
    %eq3A_111 = vector.broadcast %broadcast_in_dim3A_110 : vector<128x1xf32> to vector<128x10496xf32>
    %eq3A_112 = arith.cmpf oeq, %select_n3A_107, %eq3A_111 : vector<128x10496xf32>
    %jit3A_113 = arith.constant 10496 : i32
    %broadcast_in_dim3A_114 = vector.broadcast %jit3A_113 : i32 to vector<128x10496xi32>
    %select_n3A_115 = arith.select %eq3A_112, %iota3A_53, %broadcast_in_dim3A_114 : vector<128x10496xi1>, vector<128x10496xi32>
    %reduce_min3A_116 = arith.constant dense<2147483647> : vector<128xi32>
    %reduce_min3A_117 = vector.multi_reduction <minsi>, %select_n3A_115, %reduce_min3A_116 [1] : vector<128x10496xi32> to vector<128xi32>
    %broadcast_in_dim3A_118 = vector.shape_cast %reduce_min3A_117 : vector<128xi32> to vector<128x1xi32>
    %squeeze3A_119 = vector.shape_cast %broadcast_in_dim3A_110 : vector<128x1xf32> to vector<128xf32>
    %swap3A_120 = arith.constant 0 : index
    %swap3A_121 = arith.constant 0 : index
    %swap3A_122 = arith.constant 2 : index
    %swap3A_123 = vector.load %arg6[%swap3A_120, %swap3A_121, %swap3A_122] : memref<1x128x6xf32, #tpu.memory_space<vmem>>, vector<1x128x1xf32>
    %swap3A_124 = vector.shape_cast %swap3A_123 : vector<1x128x1xf32> to vector<128xf32>
    %swap3A_125 = vector.shape_cast %squeeze3A_119 : vector<128xf32> to vector<1x128x1xf32>
    tpu.vector_store %arg6[%swap3A_120, %swap3A_121, %swap3A_122], %swap3A_125 {strides = array<i32>} : memref<1x128x6xf32, #tpu.memory_space<vmem>>, vector<1x128x1xf32>,
    %squeeze3A_126 = vector.shape_cast %broadcast_in_dim3A_118 : vector<128x1xi32> to vector<128xi32>
    %swap3A_127 = arith.constant 0 : index
    %swap3A_128 = arith.constant 0 : index
    %swap3A_129 = arith.constant 2 : index
    %swap3A_130 = vector.load %arg7[%swap3A_127, %swap3A_128, %swap3A_129] : memref<1x128x6xi32, #tpu.memory_space<vmem>>, vector<1x128x1xi32>
    %swap3A_131 = vector.shape_cast %swap3A_130 : vector<1x128x1xi32> to vector<128xi32>
    %swap3A_132 = vector.shape_cast %squeeze3A_126 : vector<128xi32> to vector<1x128x1xi32>
    tpu.vector_store %arg7[%swap3A_127, %swap3A_128, %swap3A_129], %swap3A_132 {strides = array<i32>} : memref<1x128x6xi32, #tpu.memory_space<vmem>>, vector<1x128x1xi32>,
    %jit3A_133 = arith.constant 3.000000e+38 : f32
    %broadcast_in_dim3A_134 = vector.broadcast %jit3A_133 : f32 to vector<128x10496xf32>
    %select_n3A_135 = arith.select %eq3A_112, %broadcast_in_dim3A_134, %select_n3A_107 : vector<128x10496xi1>, vector<128x10496xf32>
    %reduce_min3A_136 = arith.constant dense<0x7F800000> : vector<128xf32>
    %reduce_min3A_137 = vector.multi_reduction <minimumf>, %select_n3A_135, %reduce_min3A_136 [1] : vector<128x10496xf32> to vector<128xf32>
    %broadcast_in_dim3A_138 = vector.shape_cast %reduce_min3A_137 : vector<128xf32> to vector<128x1xf32>
    %eq3A_139 = vector.broadcast %broadcast_in_dim3A_138 : vector<128x1xf32> to vector<128x10496xf32>
    %eq3A_140 = arith.cmpf oeq, %select_n3A_135, %eq3A_139 : vector<128x10496xf32>
    %jit3A_141 = arith.constant 10496 : i32
    %broadcast_in_dim3A_142 = vector.broadcast %jit3A_141 : i32 to vector<128x10496xi32>
    %select_n3A_143 = arith.select %eq3A_140, %iota3A_53, %broadcast_in_dim3A_142 : vector<128x10496xi1>, vector<128x10496xi32>
    %reduce_min3A_144 = arith.constant dense<2147483647> : vector<128xi32>
    %reduce_min3A_145 = vector.multi_reduction <minsi>, %select_n3A_143, %reduce_min3A_144 [1] : vector<128x10496xi32> to vector<128xi32>
    %broadcast_in_dim3A_146 = vector.shape_cast %reduce_min3A_145 : vector<128xi32> to vector<128x1xi32>
    %squeeze3A_147 = vector.shape_cast %broadcast_in_dim3A_138 : vector<128x1xf32> to vector<128xf32>
    %swap3A_148 = arith.constant 0 : index
    %swap3A_149 = arith.constant 0 : index
    %swap3A_150 = arith.constant 3 : index
    %swap3A_151 = vector.load %arg6[%swap3A_148, %swap3A_149, %swap3A_150] : memref<1x128x6xf32, #tpu.memory_space<vmem>>, vector<1x128x1xf32>
    %swap3A_152 = vector.shape_cast %swap3A_151 : vector<1x128x1xf32> to vector<128xf32>
    %swap3A_153 = vector.shape_cast %squeeze3A_147 : vector<128xf32> to vector<1x128x1xf32>
    tpu.vector_store %arg6[%swap3A_148, %swap3A_149, %swap3A_150], %swap3A_153 {strides = array<i32>} : memref<1x128x6xf32, #tpu.memory_space<vmem>>, vector<1x128x1xf32>,
    %squeeze3A_154 = vector.shape_cast %broadcast_in_dim3A_146 : vector<128x1xi32> to vector<128xi32>
    %swap3A_155 = arith.constant 0 : index
    %swap3A_156 = arith.constant 0 : index
    %swap3A_157 = arith.constant 3 : index
    %swap3A_158 = vector.load %arg7[%swap3A_155, %swap3A_156, %swap3A_157] : memref<1x128x6xi32, #tpu.memory_space<vmem>>, vector<1x128x1xi32>
    %swap3A_159 = vector.shape_cast %swap3A_158 : vector<1x128x1xi32> to vector<128xi32>
    %swap3A_160 = vector.shape_cast %squeeze3A_154 : vector<128xi32> to vector<1x128x1xi32>
    tpu.vector_store %arg7[%swap3A_155, %swap3A_156, %swap3A_157], %swap3A_160 {strides = array<i32>} : memref<1x128x6xi32, #tpu.memory_space<vmem>>, vector<1x128x1xi32>,
    %jit3A_161 = arith.constant 3.000000e+38 : f32
    %broadcast_in_dim3A_162 = vector.broadcast %jit3A_161 : f32 to vector<128x10496xf32>
    %select_n3A_163 = arith.select %eq3A_140, %broadcast_in_dim3A_162, %select_n3A_135 : vector<128x10496xi1>, vector<128x10496xf32>
    %reduce_min3A_164 = arith.constant dense<0x7F800000> : vector<128xf32>
    %reduce_min3A_165 = vector.multi_reduction <minimumf>, %select_n3A_163, %reduce_min3A_164 [1] : vector<128x10496xf32> to vector<128xf32>
    %broadcast_in_dim3A_166 = vector.shape_cast %reduce_min3A_165 : vector<128xf32> to vector<128x1xf32>
    %eq3A_167 = vector.broadcast %broadcast_in_dim3A_166 : vector<128x1xf32> to vector<128x10496xf32>
    %eq3A_168 = arith.cmpf oeq, %select_n3A_163, %eq3A_167 : vector<128x10496xf32>
    %jit3A_169 = arith.constant 10496 : i32
    %broadcast_in_dim3A_170 = vector.broadcast %jit3A_169 : i32 to vector<128x10496xi32>
    %select_n3A_171 = arith.select %eq3A_168, %iota3A_53, %broadcast_in_dim3A_170 : vector<128x10496xi1>, vector<128x10496xi32>
    %reduce_min3A_172 = arith.constant dense<2147483647> : vector<128xi32>
    %reduce_min3A_173 = vector.multi_reduction <minsi>, %select_n3A_171, %reduce_min3A_172 [1] : vector<128x10496xi32> to vector<128xi32>
    %broadcast_in_dim3A_174 = vector.shape_cast %reduce_min3A_173 : vector<128xi32> to vector<128x1xi32>
    %squeeze3A_175 = vector.shape_cast %broadcast_in_dim3A_166 : vector<128x1xf32> to vector<128xf32>
    %swap3A_176 = arith.constant 0 : index
    %swap3A_177 = arith.constant 0 : index
    %swap3A_178 = arith.constant 4 : index
    %swap3A_179 = vector.load %arg6[%swap3A_176, %swap3A_177, %swap3A_178] : memref<1x128x6xf32, #tpu.memory_space<vmem>>, vector<1x128x1xf32>
    %swap3A_180 = vector.shape_cast %swap3A_179 : vector<1x128x1xf32> to vector<128xf32>
    %swap3A_181 = vector.shape_cast %squeeze3A_175 : vector<128xf32> to vector<1x128x1xf32>
    tpu.vector_store %arg6[%swap3A_176, %swap3A_177, %swap3A_178], %swap3A_181 {strides = array<i32>} : memref<1x128x6xf32, #tpu.memory_space<vmem>>, vector<1x128x1xf32>,
    %squeeze3A_182 = vector.shape_cast %broadcast_in_dim3A_174 : vector<128x1xi32> to vector<128xi32>
    %swap3A_183 = arith.constant 0 : index
    %swap3A_184 = arith.constant 0 : index
    %swap3A_185 = arith.constant 4 : index
    %swap3A_186 = vector.load %arg7[%swap3A_183, %swap3A_184, %swap3A_185] : memref<1x128x6xi32, #tpu.memory_space<vmem>>, vector<1x128x1xi32>
    %swap3A_187 = vector.shape_cast %swap3A_186 : vector<1x128x1xi32> to vector<128xi32>
    %swap3A_188 = vector.shape_cast %squeeze3A_182 : vector<128xi32> to vector<1x128x1xi32>
    tpu.vector_store %arg7[%swap3A_183, %swap3A_184, %swap3A_185], %swap3A_188 {strides = array<i32>} : memref<1x128x6xi32, #tpu.memory_space<vmem>>, vector<1x128x1xi32>,
    %jit3A_189 = arith.constant 3.000000e+38 : f32
    %broadcast_in_dim3A_190 = vector.broadcast %jit3A_189 : f32 to vector<128x10496xf32>
    %select_n3A_191 = arith.select %eq3A_168, %broadcast_in_dim3A_190, %select_n3A_163 : vector<128x10496xi1>, vector<128x10496xf32>
    %reduce_min3A_192 = arith.constant dense<0x7F800000> : vector<128xf32>
    %reduce_min3A_193 = vector.multi_reduction <minimumf>, %select_n3A_191, %reduce_min3A_192 [1] : vector<128x10496xf32> to vector<128xf32>
    %broadcast_in_dim3A_194 = vector.shape_cast %reduce_min3A_193 : vector<128xf32> to vector<128x1xf32>
    %eq3A_195 = vector.broadcast %broadcast_in_dim3A_194 : vector<128x1xf32> to vector<128x10496xf32>
    %eq3A_196 = arith.cmpf oeq, %select_n3A_191, %eq3A_195 : vector<128x10496xf32>
    %jit3A_197 = arith.constant 10496 : i32
    %broadcast_in_dim3A_198 = vector.broadcast %jit3A_197 : i32 to vector<128x10496xi32>
    %select_n3A_199 = arith.select %eq3A_196, %iota3A_53, %broadcast_in_dim3A_198 : vector<128x10496xi1>, vector<128x10496xi32>
    %reduce_min3A_200 = arith.constant dense<2147483647> : vector<128xi32>
    %reduce_min3A_201 = vector.multi_reduction <minsi>, %select_n3A_199, %reduce_min3A_200 [1] : vector<128x10496xi32> to vector<128xi32>
    %broadcast_in_dim3A_202 = vector.shape_cast %reduce_min3A_201 : vector<128xi32> to vector<128x1xi32>
    %squeeze3A_203 = vector.shape_cast %broadcast_in_dim3A_194 : vector<128x1xf32> to vector<128xf32>
    %swap3A_204 = arith.constant 0 : index
    %swap3A_205 = arith.constant 0 : index
    %swap3A_206 = arith.constant 5 : index
    %swap3A_207 = vector.load %arg6[%swap3A_204, %swap3A_205, %swap3A_206] : memref<1x128x6xf32, #tpu.memory_space<vmem>>, vector<1x128x1xf32>
    %swap3A_208 = vector.shape_cast %swap3A_207 : vector<1x128x1xf32> to vector<128xf32>
    %swap3A_209 = vector.shape_cast %squeeze3A_203 : vector<128xf32> to vector<1x128x1xf32>
    tpu.vector_store %arg6[%swap3A_204, %swap3A_205, %swap3A_206], %swap3A_209 {strides = array<i32>} : memref<1x128x6xf32, #tpu.memory_space<vmem>>, vector<1x128x1xf32>,
    %squeeze3A_210 = vector.shape_cast %broadcast_in_dim3A_202 : vector<128x1xi32> to vector<128xi32>
    %swap3A_211 = arith.constant 0 : index
    %swap3A_212 = arith.constant 0 : index
    %swap3A_213 = arith.constant 5 : index
    %swap3A_214 = vector.load %arg7[%swap3A_211, %swap3A_212, %swap3A_213] : memref<1x128x6xi32, #tpu.memory_space<vmem>>, vector<1x128x1xi32>
    %swap3A_215 = vector.shape_cast %swap3A_214 : vector<1x128x1xi32> to vector<128xi32>
    %swap3A_216 = vector.shape_cast %squeeze3A_210 : vector<128xi32> to vector<1x128x1xi32>
    tpu.vector_store %arg7[%swap3A_211, %swap3A_212, %swap3A_213], %swap3A_216 {strides = array<i32>} : memref<1x128x6xi32, #tpu.memory_space<vmem>>, vector<1x128x1xi32>,
    return
  }
  func.func @transform_0(%arg0: i32, %arg1: i32) -> (i32, i32, i32) {
    %c0_i32 = arith.constant 0 : i32
    %c0_i32_0 = arith.constant 0 : i32
    return %arg0, %arg1, %c0_i32 : i32, i32, i32
  }
  func.func @transform_1(%arg0: i32, %arg1: i32) -> (i32, i32, i32) {
    %c0_i32 = arith.constant 0 : i32
    %c0_i32_0 = arith.constant 0 : i32
    %c0_i32_1 = arith.constant 0 : i32
    return %arg0, %c0_i32, %c0_i32_0 : i32, i32, i32
  }
  func.func @transform_2(%arg0: i32, %arg1: i32) -> (i32, i32, i32) {
    %c0_i32 = arith.constant 0 : i32
    %c0_i32_0 = arith.constant 0 : i32
    %c0_i32_1 = arith.constant 0 : i32
    return %arg0, %c0_i32, %c0_i32_0 : i32, i32, i32
  }
  func.func @transform_3(%arg0: i32, %arg1: i32) -> (i32, i32, i32) {
    %c0_i32 = arith.constant 0 : i32
    %c0_i32_0 = arith.constant 0 : i32
    return %arg0, %arg1, %c0_i32 : i32, i32, i32
  }
  func.func @transform_4(%arg0: i32, %arg1: i32) -> (i32, i32, i32) {
    %c0_i32 = arith.constant 0 : i32
    %c0_i32_0 = arith.constant 0 : i32
    return %arg0, %arg1, %c0_i32 : i32, i32, i32
  }
  func.func @transform_5(%arg0: i32, %arg1: i32) -> (i32, i32, i32) {
    %c0_i32 = arith.constant 0 : i32
    %c0_i32_0 = arith.constant 0 : i32
    return %arg0, %arg1, %c0_i32 : i32, i32, i32
  }
}

module attributes {stable_mosaic.version = 14 : i64} {
  func.func @_combine_body(%arg0: i32, %arg1: memref<1024x768xf32, #tpu.memory_space<vmem>>, %arg2: memref<1024x6xf32, #tpu.memory_space<vmem>>, %arg3: memref<1024x3xf32, #tpu.memory_space<vmem>>, %arg4: memref<1024x3xf32, #tpu.memory_space<vmem>>) attributes {dimension_semantics = [#tpu.dimension_semantics<arbitrary>], iteration_bounds = array<i64: 32>, scalar_prefetch = 0 : i64, scratch_operands = 0 : i64, tpu.core_type = #tpu.core_type<tc>, window_params = [{transform_indices = @transform_0, window_bounds = array<i64: 1024, 768>}, {transform_indices = @transform_1, window_bounds = array<i64: 1024, 6>}, {transform_indices = @transform_2, window_bounds = array<i64: 1024, 3>}, {transform_indices = @transform_3, window_bounds = array<i64: 1024, 3>}]} {
    %get3A = arith.constant 0 : index
    %get3A_0 = arith.constant 0 : index
    %get3A_1 = vector.load %arg1[%get3A, %get3A_0] : memref<1024x768xf32, #tpu.memory_space<vmem>>, vector<1024x768xf32>
    %get3A_2 = arith.constant 0 : index
    %get3A_3 = arith.constant 0 : index
    %get3A_4 = vector.load %arg2[%get3A_2, %get3A_3] : memref<1024x6xf32, #tpu.memory_space<vmem>>, vector<1024x6xf32>
    %get3A_5 = arith.constant 0 : index
    %get3A_6 = arith.constant 0 : index
    %get3A_7 = vector.load %arg3[%get3A_5, %get3A_6] : memref<1024x3xf32, #tpu.memory_space<vmem>>, vector<1024x3xf32>
    %slice3A = vector.extract_strided_slice %get3A_1 {offsets = [0, 0], sizes = [1024, 64], strides = [1, 1]} : vector<1024x768xf32> to vector<1024x64xf32>
    %broadcast_in_dim3A = arith.constant 1.000000e+00 : f32
    %broadcast_in_dim3A_8 = vector.broadcast %broadcast_in_dim3A : f32 to vector<1024xf32>
    %slice3A_9 = vector.extract_strided_slice %get3A_4 {offsets = [0, 0], sizes = [1024, 1], strides = [1, 1]} : vector<1024x6xf32> to vector<1024x1xf32>
    %squeeze3A = vector.shape_cast %slice3A_9 : vector<1024x1xf32> to vector<1024xf32>
    %neg3A = arith.constant 0.000000e+00 : f32
    %neg3A_10 = vector.broadcast %neg3A : f32 to vector<1024xf32>
    %neg3A_11 = arith.subf %neg3A_10, %squeeze3A : vector<1024xf32>
    %exp3A = math.exp %neg3A_11 : vector<1024xf32>
    %mul3A = arith.mulf %exp3A, %broadcast_in_dim3A_8 : vector<1024xf32>
    %slice3A_12 = vector.extract_strided_slice %get3A_1 {offsets = [0, 128], sizes = [1024, 64], strides = [1, 1]} : vector<1024x768xf32> to vector<1024x64xf32>
    %sub3A = arith.subf %slice3A_12, %slice3A : vector<1024x64xf32>
    %abs3A = math.absf %sub3A : vector<1024x64xf32>
    %reduce_sum3A = arith.constant dense<0.000000e+00> : vector<1024xf32>
    %reduce_sum3A_13 = vector.multi_reduction <add>, %abs3A, %reduce_sum3A [1] : vector<1024x64xf32> to vector<1024xf32>
    %neg3A_14 = arith.constant 0.000000e+00 : f32
    %neg3A_15 = vector.broadcast %neg3A_14 : f32 to vector<1024xf32>
    %neg3A_16 = arith.subf %neg3A_15, %reduce_sum3A_13 : vector<1024xf32>
    %div3A = arith.constant 2.000000e-02 : f32
    %div3A_17 = vector.broadcast %div3A : f32 to vector<1024xf32>
    %div3A_18 = arith.divf %neg3A_16, %div3A_17 : vector<1024xf32>
    %exp3A_19 = math.exp %div3A_18 : vector<1024xf32>
    %gt3A = arith.constant 0.899999976 : f32
    %gt3A_20 = vector.broadcast %gt3A : f32 to vector<1024xf32>
    %gt3A_21 = arith.cmpf ogt, %exp3A_19, %gt3A_20 : vector<1024xf32>
    %convert_element_type3A = arith.extui %gt3A_21 : vector<1024xi1> to vector<1024xi32>
    %convert_element_type3A_22 = arith.sitofp %convert_element_type3A : vector<1024xi32> to vector<1024xf32>
    %slice3A_23 = vector.extract_strided_slice %get3A_4 {offsets = [0, 1], sizes = [1024, 1], strides = [1, 1]} : vector<1024x6xf32> to vector<1024x1xf32>
    %squeeze3A_24 = vector.shape_cast %slice3A_23 : vector<1024x1xf32> to vector<1024xf32>
    %neg3A_25 = arith.constant 0.000000e+00 : f32
    %neg3A_26 = vector.broadcast %neg3A_25 : f32 to vector<1024xf32>
    %neg3A_27 = arith.subf %neg3A_26, %squeeze3A_24 : vector<1024xf32>
    %exp3A_28 = math.exp %neg3A_27 : vector<1024xf32>
    %mul3A_29 = arith.mulf %exp3A_28, %convert_element_type3A_22 : vector<1024xf32>
    %slice3A_30 = vector.extract_strided_slice %get3A_1 {offsets = [0, 256], sizes = [1024, 64], strides = [1, 1]} : vector<1024x768xf32> to vector<1024x64xf32>
    %sub3A_31 = arith.subf %slice3A_30, %slice3A : vector<1024x64xf32>
    %abs3A_32 = math.absf %sub3A_31 : vector<1024x64xf32>
    %reduce_sum3A_33 = arith.constant dense<0.000000e+00> : vector<1024xf32>
    %reduce_sum3A_34 = vector.multi_reduction <add>, %abs3A_32, %reduce_sum3A_33 [1] : vector<1024x64xf32> to vector<1024xf32>
    %neg3A_35 = arith.constant 0.000000e+00 : f32
    %neg3A_36 = vector.broadcast %neg3A_35 : f32 to vector<1024xf32>
    %neg3A_37 = arith.subf %neg3A_36, %reduce_sum3A_34 : vector<1024xf32>
    %div3A_38 = arith.constant 2.000000e-02 : f32
    %div3A_39 = vector.broadcast %div3A_38 : f32 to vector<1024xf32>
    %div3A_40 = arith.divf %neg3A_37, %div3A_39 : vector<1024xf32>
    %exp3A_41 = math.exp %div3A_40 : vector<1024xf32>
    %gt3A_42 = arith.constant 0.899999976 : f32
    %gt3A_43 = vector.broadcast %gt3A_42 : f32 to vector<1024xf32>
    %gt3A_44 = arith.cmpf ogt, %exp3A_41, %gt3A_43 : vector<1024xf32>
    %convert_element_type3A_45 = arith.extui %gt3A_44 : vector<1024xi1> to vector<1024xi32>
    %convert_element_type3A_46 = arith.sitofp %convert_element_type3A_45 : vector<1024xi32> to vector<1024xf32>
    %slice3A_47 = vector.extract_strided_slice %get3A_4 {offsets = [0, 2], sizes = [1024, 1], strides = [1, 1]} : vector<1024x6xf32> to vector<1024x1xf32>
    %squeeze3A_48 = vector.shape_cast %slice3A_47 : vector<1024x1xf32> to vector<1024xf32>
    %neg3A_49 = arith.constant 0.000000e+00 : f32
    %neg3A_50 = vector.broadcast %neg3A_49 : f32 to vector<1024xf32>
    %neg3A_51 = arith.subf %neg3A_50, %squeeze3A_48 : vector<1024xf32>
    %exp3A_52 = math.exp %neg3A_51 : vector<1024xf32>
    %mul3A_53 = arith.mulf %exp3A_52, %convert_element_type3A_46 : vector<1024xf32>
    %slice3A_54 = vector.extract_strided_slice %get3A_1 {offsets = [0, 384], sizes = [1024, 64], strides = [1, 1]} : vector<1024x768xf32> to vector<1024x64xf32>
    %sub3A_55 = arith.subf %slice3A_54, %slice3A : vector<1024x64xf32>
    %abs3A_56 = math.absf %sub3A_55 : vector<1024x64xf32>
    %reduce_sum3A_57 = arith.constant dense<0.000000e+00> : vector<1024xf32>
    %reduce_sum3A_58 = vector.multi_reduction <add>, %abs3A_56, %reduce_sum3A_57 [1] : vector<1024x64xf32> to vector<1024xf32>
    %neg3A_59 = arith.constant 0.000000e+00 : f32
    %neg3A_60 = vector.broadcast %neg3A_59 : f32 to vector<1024xf32>
    %neg3A_61 = arith.subf %neg3A_60, %reduce_sum3A_58 : vector<1024xf32>
    %div3A_62 = arith.constant 2.000000e-02 : f32
    %div3A_63 = vector.broadcast %div3A_62 : f32 to vector<1024xf32>
    %div3A_64 = arith.divf %neg3A_61, %div3A_63 : vector<1024xf32>
    %exp3A_65 = math.exp %div3A_64 : vector<1024xf32>
    %gt3A_66 = arith.constant 0.899999976 : f32
    %gt3A_67 = vector.broadcast %gt3A_66 : f32 to vector<1024xf32>
    %gt3A_68 = arith.cmpf ogt, %exp3A_65, %gt3A_67 : vector<1024xf32>
    %convert_element_type3A_69 = arith.extui %gt3A_68 : vector<1024xi1> to vector<1024xi32>
    %convert_element_type3A_70 = arith.sitofp %convert_element_type3A_69 : vector<1024xi32> to vector<1024xf32>
    %slice3A_71 = vector.extract_strided_slice %get3A_4 {offsets = [0, 3], sizes = [1024, 1], strides = [1, 1]} : vector<1024x6xf32> to vector<1024x1xf32>
    %squeeze3A_72 = vector.shape_cast %slice3A_71 : vector<1024x1xf32> to vector<1024xf32>
    %neg3A_73 = arith.constant 0.000000e+00 : f32
    %neg3A_74 = vector.broadcast %neg3A_73 : f32 to vector<1024xf32>
    %neg3A_75 = arith.subf %neg3A_74, %squeeze3A_72 : vector<1024xf32>
    %exp3A_76 = math.exp %neg3A_75 : vector<1024xf32>
    %mul3A_77 = arith.mulf %exp3A_76, %convert_element_type3A_70 : vector<1024xf32>
    %slice3A_78 = vector.extract_strided_slice %get3A_1 {offsets = [0, 512], sizes = [1024, 64], strides = [1, 1]} : vector<1024x768xf32> to vector<1024x64xf32>
    %sub3A_79 = arith.subf %slice3A_78, %slice3A : vector<1024x64xf32>
    %abs3A_80 = math.absf %sub3A_79 : vector<1024x64xf32>
    %reduce_sum3A_81 = arith.constant dense<0.000000e+00> : vector<1024xf32>
    %reduce_sum3A_82 = vector.multi_reduction <add>, %abs3A_80, %reduce_sum3A_81 [1] : vector<1024x64xf32> to vector<1024xf32>
    %neg3A_83 = arith.constant 0.000000e+00 : f32
    %neg3A_84 = vector.broadcast %neg3A_83 : f32 to vector<1024xf32>
    %neg3A_85 = arith.subf %neg3A_84, %reduce_sum3A_82 : vector<1024xf32>
    %div3A_86 = arith.constant 2.000000e-02 : f32
    %div3A_87 = vector.broadcast %div3A_86 : f32 to vector<1024xf32>
    %div3A_88 = arith.divf %neg3A_85, %div3A_87 : vector<1024xf32>
    %exp3A_89 = math.exp %div3A_88 : vector<1024xf32>
    %gt3A_90 = arith.constant 0.899999976 : f32
    %gt3A_91 = vector.broadcast %gt3A_90 : f32 to vector<1024xf32>
    %gt3A_92 = arith.cmpf ogt, %exp3A_89, %gt3A_91 : vector<1024xf32>
    %convert_element_type3A_93 = arith.extui %gt3A_92 : vector<1024xi1> to vector<1024xi32>
    %convert_element_type3A_94 = arith.sitofp %convert_element_type3A_93 : vector<1024xi32> to vector<1024xf32>
    %slice3A_95 = vector.extract_strided_slice %get3A_4 {offsets = [0, 4], sizes = [1024, 1], strides = [1, 1]} : vector<1024x6xf32> to vector<1024x1xf32>
    %squeeze3A_96 = vector.shape_cast %slice3A_95 : vector<1024x1xf32> to vector<1024xf32>
    %neg3A_97 = arith.constant 0.000000e+00 : f32
    %neg3A_98 = vector.broadcast %neg3A_97 : f32 to vector<1024xf32>
    %neg3A_99 = arith.subf %neg3A_98, %squeeze3A_96 : vector<1024xf32>
    %exp3A_100 = math.exp %neg3A_99 : vector<1024xf32>
    %mul3A_101 = arith.mulf %exp3A_100, %convert_element_type3A_94 : vector<1024xf32>
    %slice3A_102 = vector.extract_strided_slice %get3A_1 {offsets = [0, 640], sizes = [1024, 64], strides = [1, 1]} : vector<1024x768xf32> to vector<1024x64xf32>
    %sub3A_103 = arith.subf %slice3A_102, %slice3A : vector<1024x64xf32>
    %abs3A_104 = math.absf %sub3A_103 : vector<1024x64xf32>
    %reduce_sum3A_105 = arith.constant dense<0.000000e+00> : vector<1024xf32>
    %reduce_sum3A_106 = vector.multi_reduction <add>, %abs3A_104, %reduce_sum3A_105 [1] : vector<1024x64xf32> to vector<1024xf32>
    %neg3A_107 = arith.constant 0.000000e+00 : f32
    %neg3A_108 = vector.broadcast %neg3A_107 : f32 to vector<1024xf32>
    %neg3A_109 = arith.subf %neg3A_108, %reduce_sum3A_106 : vector<1024xf32>
    %div3A_110 = arith.constant 2.000000e-02 : f32
    %div3A_111 = vector.broadcast %div3A_110 : f32 to vector<1024xf32>
    %div3A_112 = arith.divf %neg3A_109, %div3A_111 : vector<1024xf32>
    %exp3A_113 = math.exp %div3A_112 : vector<1024xf32>
    %gt3A_114 = arith.constant 0.899999976 : f32
    %gt3A_115 = vector.broadcast %gt3A_114 : f32 to vector<1024xf32>
    %gt3A_116 = arith.cmpf ogt, %exp3A_113, %gt3A_115 : vector<1024xf32>
    %convert_element_type3A_117 = arith.extui %gt3A_116 : vector<1024xi1> to vector<1024xi32>
    %convert_element_type3A_118 = arith.sitofp %convert_element_type3A_117 : vector<1024xi32> to vector<1024xf32>
    %slice3A_119 = vector.extract_strided_slice %get3A_4 {offsets = [0, 5], sizes = [1024, 1], strides = [1, 1]} : vector<1024x6xf32> to vector<1024x1xf32>
    %squeeze3A_120 = vector.shape_cast %slice3A_119 : vector<1024x1xf32> to vector<1024xf32>
    %neg3A_121 = arith.constant 0.000000e+00 : f32
    %neg3A_122 = vector.broadcast %neg3A_121 : f32 to vector<1024xf32>
    %neg3A_123 = arith.subf %neg3A_122, %squeeze3A_120 : vector<1024xf32>
    %exp3A_124 = math.exp %neg3A_123 : vector<1024xf32>
    %mul3A_125 = arith.mulf %exp3A_124, %convert_element_type3A_118 : vector<1024xf32>
    %add3A = arith.addf %mul3A, %mul3A_29 : vector<1024xf32>
    %add3A_126 = arith.addf %add3A, %mul3A_53 : vector<1024xf32>
    %add3A_127 = arith.addf %add3A_126, %mul3A_77 : vector<1024xf32>
    %add3A_128 = arith.addf %add3A_127, %mul3A_101 : vector<1024xf32>
    %add3A_129 = arith.addf %add3A_128, %mul3A_125 : vector<1024xf32>
    %broadcast_in_dim3A_130 = arith.constant 0.000000e+00 : f32
    %broadcast_in_dim3A_131 = vector.broadcast %broadcast_in_dim3A_130 : f32 to vector<1024x16xf32>
    %div3A_132 = arith.divf %mul3A, %add3A_129 : vector<1024xf32>
    %broadcast_in_dim3A_133 = vector.shape_cast %div3A_132 : vector<1024xf32> to vector<1024x1xf32>
    %slice3A_134 = vector.extract_strided_slice %get3A_1 {offsets = [0, 64], sizes = [1024, 16], strides = [1, 1]} : vector<1024x768xf32> to vector<1024x16xf32>
    %mul3A_135 = vector.broadcast %broadcast_in_dim3A_133 : vector<1024x1xf32> to vector<1024x16xf32>
    %mul3A_136 = arith.mulf %mul3A_135, %slice3A_134 : vector<1024x16xf32>
    %add3A_137 = arith.addf %broadcast_in_dim3A_131, %mul3A_136 : vector<1024x16xf32>
    %div3A_138 = arith.divf %mul3A_29, %add3A_129 : vector<1024xf32>
    %broadcast_in_dim3A_139 = vector.shape_cast %div3A_138 : vector<1024xf32> to vector<1024x1xf32>
    %slice3A_140 = vector.extract_strided_slice %get3A_1 {offsets = [0, 192], sizes = [1024, 16], strides = [1, 1]} : vector<1024x768xf32> to vector<1024x16xf32>
    %mul3A_141 = vector.broadcast %broadcast_in_dim3A_139 : vector<1024x1xf32> to vector<1024x16xf32>
    %mul3A_142 = arith.mulf %mul3A_141, %slice3A_140 : vector<1024x16xf32>
    %add3A_143 = arith.addf %add3A_137, %mul3A_142 : vector<1024x16xf32>
    %div3A_144 = arith.divf %mul3A_53, %add3A_129 : vector<1024xf32>
    %broadcast_in_dim3A_145 = vector.shape_cast %div3A_144 : vector<1024xf32> to vector<1024x1xf32>
    %slice3A_146 = vector.extract_strided_slice %get3A_1 {offsets = [0, 320], sizes = [1024, 16], strides = [1, 1]} : vector<1024x768xf32> to vector<1024x16xf32>
    %mul3A_147 = vector.broadcast %broadcast_in_dim3A_145 : vector<1024x1xf32> to vector<1024x16xf32>
    %mul3A_148 = arith.mulf %mul3A_147, %slice3A_146 : vector<1024x16xf32>
    %add3A_149 = arith.addf %add3A_143, %mul3A_148 : vector<1024x16xf32>
    %div3A_150 = arith.divf %mul3A_77, %add3A_129 : vector<1024xf32>
    %broadcast_in_dim3A_151 = vector.shape_cast %div3A_150 : vector<1024xf32> to vector<1024x1xf32>
    %slice3A_152 = vector.extract_strided_slice %get3A_1 {offsets = [0, 448], sizes = [1024, 16], strides = [1, 1]} : vector<1024x768xf32> to vector<1024x16xf32>
    %mul3A_153 = vector.broadcast %broadcast_in_dim3A_151 : vector<1024x1xf32> to vector<1024x16xf32>
    %mul3A_154 = arith.mulf %mul3A_153, %slice3A_152 : vector<1024x16xf32>
    %add3A_155 = arith.addf %add3A_149, %mul3A_154 : vector<1024x16xf32>
    %div3A_156 = arith.divf %mul3A_101, %add3A_129 : vector<1024xf32>
    %broadcast_in_dim3A_157 = vector.shape_cast %div3A_156 : vector<1024xf32> to vector<1024x1xf32>
    %slice3A_158 = vector.extract_strided_slice %get3A_1 {offsets = [0, 576], sizes = [1024, 16], strides = [1, 1]} : vector<1024x768xf32> to vector<1024x16xf32>
    %mul3A_159 = vector.broadcast %broadcast_in_dim3A_157 : vector<1024x1xf32> to vector<1024x16xf32>
    %mul3A_160 = arith.mulf %mul3A_159, %slice3A_158 : vector<1024x16xf32>
    %add3A_161 = arith.addf %add3A_155, %mul3A_160 : vector<1024x16xf32>
    %div3A_162 = arith.divf %mul3A_125, %add3A_129 : vector<1024xf32>
    %broadcast_in_dim3A_163 = vector.shape_cast %div3A_162 : vector<1024xf32> to vector<1024x1xf32>
    %slice3A_164 = vector.extract_strided_slice %get3A_1 {offsets = [0, 704], sizes = [1024, 16], strides = [1, 1]} : vector<1024x768xf32> to vector<1024x16xf32>
    %mul3A_165 = vector.broadcast %broadcast_in_dim3A_163 : vector<1024x1xf32> to vector<1024x16xf32>
    %mul3A_166 = arith.mulf %mul3A_165, %slice3A_164 : vector<1024x16xf32>
    %add3A_167 = arith.addf %add3A_161, %mul3A_166 : vector<1024x16xf32>
    %slice3A_168 = vector.extract_strided_slice %add3A_167 {offsets = [0, 0], sizes = [1024, 1], strides = [1, 1]} : vector<1024x16xf32> to vector<1024x1xf32>
    %squeeze3A_169 = vector.shape_cast %slice3A_168 : vector<1024x1xf32> to vector<1024xf32>
    %slice3A_170 = vector.extract_strided_slice %get3A_7 {offsets = [0, 0], sizes = [1024, 1], strides = [1, 1]} : vector<1024x3xf32> to vector<1024x1xf32>
    %squeeze3A_171 = vector.shape_cast %slice3A_170 : vector<1024x1xf32> to vector<1024xf32>
    %mul3A_172 = arith.mulf %squeeze3A_169, %squeeze3A_171 : vector<1024xf32>
    %slice3A_173 = vector.extract_strided_slice %add3A_167 {offsets = [0, 1], sizes = [1024, 1], strides = [1, 1]} : vector<1024x16xf32> to vector<1024x1xf32>
    %squeeze3A_174 = vector.shape_cast %slice3A_173 : vector<1024x1xf32> to vector<1024xf32>
    %slice3A_175 = vector.extract_strided_slice %get3A_7 {offsets = [0, 1], sizes = [1024, 1], strides = [1, 1]} : vector<1024x3xf32> to vector<1024x1xf32>
    %squeeze3A_176 = vector.shape_cast %slice3A_175 : vector<1024x1xf32> to vector<1024xf32>
    %mul3A_177 = arith.mulf %squeeze3A_174, %squeeze3A_176 : vector<1024xf32>
    %add3A_178 = arith.addf %mul3A_172, %mul3A_177 : vector<1024xf32>
    %slice3A_179 = vector.extract_strided_slice %add3A_167 {offsets = [0, 2], sizes = [1024, 1], strides = [1, 1]} : vector<1024x16xf32> to vector<1024x1xf32>
    %squeeze3A_180 = vector.shape_cast %slice3A_179 : vector<1024x1xf32> to vector<1024xf32>
    %slice3A_181 = vector.extract_strided_slice %get3A_7 {offsets = [0, 2], sizes = [1024, 1], strides = [1, 1]} : vector<1024x3xf32> to vector<1024x1xf32>
    %squeeze3A_182 = vector.shape_cast %slice3A_181 : vector<1024x1xf32> to vector<1024xf32>
    %mul3A_183 = arith.mulf %squeeze3A_180, %squeeze3A_182 : vector<1024xf32>
    %add3A_184 = arith.addf %add3A_178, %mul3A_183 : vector<1024xf32>
    %slice3A_185 = vector.extract_strided_slice %add3A_167 {offsets = [0, 3], sizes = [1024, 1], strides = [1, 1]} : vector<1024x16xf32> to vector<1024x1xf32>
    %squeeze3A_186 = vector.shape_cast %slice3A_185 : vector<1024x1xf32> to vector<1024xf32>
    %add3A_187 = arith.addf %add3A_184, %squeeze3A_186 : vector<1024xf32>
    %broadcast_in_dim3A_188 = vector.shape_cast %add3A_187 : vector<1024xf32> to vector<1024x1xf32>
    %slice3A_189 = vector.extract_strided_slice %add3A_167 {offsets = [0, 4], sizes = [1024, 1], strides = [1, 1]} : vector<1024x16xf32> to vector<1024x1xf32>
    %squeeze3A_190 = vector.shape_cast %slice3A_189 : vector<1024x1xf32> to vector<1024xf32>
    %slice3A_191 = vector.extract_strided_slice %get3A_7 {offsets = [0, 0], sizes = [1024, 1], strides = [1, 1]} : vector<1024x3xf32> to vector<1024x1xf32>
    %squeeze3A_192 = vector.shape_cast %slice3A_191 : vector<1024x1xf32> to vector<1024xf32>
    %mul3A_193 = arith.mulf %squeeze3A_190, %squeeze3A_192 : vector<1024xf32>
    %slice3A_194 = vector.extract_strided_slice %add3A_167 {offsets = [0, 5], sizes = [1024, 1], strides = [1, 1]} : vector<1024x16xf32> to vector<1024x1xf32>
    %squeeze3A_195 = vector.shape_cast %slice3A_194 : vector<1024x1xf32> to vector<1024xf32>
    %slice3A_196 = vector.extract_strided_slice %get3A_7 {offsets = [0, 1], sizes = [1024, 1], strides = [1, 1]} : vector<1024x3xf32> to vector<1024x1xf32>
    %squeeze3A_197 = vector.shape_cast %slice3A_196 : vector<1024x1xf32> to vector<1024xf32>
    %mul3A_198 = arith.mulf %squeeze3A_195, %squeeze3A_197 : vector<1024xf32>
    %add3A_199 = arith.addf %mul3A_193, %mul3A_198 : vector<1024xf32>
    %slice3A_200 = vector.extract_strided_slice %add3A_167 {offsets = [0, 6], sizes = [1024, 1], strides = [1, 1]} : vector<1024x16xf32> to vector<1024x1xf32>
    %squeeze3A_201 = vector.shape_cast %slice3A_200 : vector<1024x1xf32> to vector<1024xf32>
    %slice3A_202 = vector.extract_strided_slice %get3A_7 {offsets = [0, 2], sizes = [1024, 1], strides = [1, 1]} : vector<1024x3xf32> to vector<1024x1xf32>
    %squeeze3A_203 = vector.shape_cast %slice3A_202 : vector<1024x1xf32> to vector<1024xf32>
    %mul3A_204 = arith.mulf %squeeze3A_201, %squeeze3A_203 : vector<1024xf32>
    %add3A_205 = arith.addf %add3A_199, %mul3A_204 : vector<1024xf32>
    %slice3A_206 = vector.extract_strided_slice %add3A_167 {offsets = [0, 7], sizes = [1024, 1], strides = [1, 1]} : vector<1024x16xf32> to vector<1024x1xf32>
    %squeeze3A_207 = vector.shape_cast %slice3A_206 : vector<1024x1xf32> to vector<1024xf32>
    %add3A_208 = arith.addf %add3A_205, %squeeze3A_207 : vector<1024xf32>
    %broadcast_in_dim3A_209 = vector.shape_cast %add3A_208 : vector<1024xf32> to vector<1024x1xf32>
    %slice3A_210 = vector.extract_strided_slice %add3A_167 {offsets = [0, 8], sizes = [1024, 1], strides = [1, 1]} : vector<1024x16xf32> to vector<1024x1xf32>
    %squeeze3A_211 = vector.shape_cast %slice3A_210 : vector<1024x1xf32> to vector<1024xf32>
    %slice3A_212 = vector.extract_strided_slice %get3A_7 {offsets = [0, 0], sizes = [1024, 1], strides = [1, 1]} : vector<1024x3xf32> to vector<1024x1xf32>
    %squeeze3A_213 = vector.shape_cast %slice3A_212 : vector<1024x1xf32> to vector<1024xf32>
    %mul3A_214 = arith.mulf %squeeze3A_211, %squeeze3A_213 : vector<1024xf32>
    %slice3A_215 = vector.extract_strided_slice %add3A_167 {offsets = [0, 9], sizes = [1024, 1], strides = [1, 1]} : vector<1024x16xf32> to vector<1024x1xf32>
    %squeeze3A_216 = vector.shape_cast %slice3A_215 : vector<1024x1xf32> to vector<1024xf32>
    %slice3A_217 = vector.extract_strided_slice %get3A_7 {offsets = [0, 1], sizes = [1024, 1], strides = [1, 1]} : vector<1024x3xf32> to vector<1024x1xf32>
    %squeeze3A_218 = vector.shape_cast %slice3A_217 : vector<1024x1xf32> to vector<1024xf32>
    %mul3A_219 = arith.mulf %squeeze3A_216, %squeeze3A_218 : vector<1024xf32>
    %add3A_220 = arith.addf %mul3A_214, %mul3A_219 : vector<1024xf32>
    %slice3A_221 = vector.extract_strided_slice %add3A_167 {offsets = [0, 10], sizes = [1024, 1], strides = [1, 1]} : vector<1024x16xf32> to vector<1024x1xf32>
    %squeeze3A_222 = vector.shape_cast %slice3A_221 : vector<1024x1xf32> to vector<1024xf32>
    %slice3A_223 = vector.extract_strided_slice %get3A_7 {offsets = [0, 2], sizes = [1024, 1], strides = [1, 1]} : vector<1024x3xf32> to vector<1024x1xf32>
    %squeeze3A_224 = vector.shape_cast %slice3A_223 : vector<1024x1xf32> to vector<1024xf32>
    %mul3A_225 = arith.mulf %squeeze3A_222, %squeeze3A_224 : vector<1024xf32>
    %add3A_226 = arith.addf %add3A_220, %mul3A_225 : vector<1024xf32>
    %slice3A_227 = vector.extract_strided_slice %add3A_167 {offsets = [0, 11], sizes = [1024, 1], strides = [1, 1]} : vector<1024x16xf32> to vector<1024x1xf32>
    %squeeze3A_228 = vector.shape_cast %slice3A_227 : vector<1024x1xf32> to vector<1024xf32>
    %add3A_229 = arith.addf %add3A_226, %squeeze3A_228 : vector<1024xf32>
    %broadcast_in_dim3A_230 = vector.shape_cast %add3A_229 : vector<1024xf32> to vector<1024x1xf32>
    %concatenate3A = tpu.concatenate %broadcast_in_dim3A_188, %broadcast_in_dim3A_209, %broadcast_in_dim3A_230 in 1 : vector<1024x1xf32>, vector<1024x1xf32>, vector<1024x1xf32> -> vector<1024x3xf32>
    %swap3A = arith.constant 0 : index
    %swap3A_231 = arith.constant 0 : index
    %swap3A_232 = vector.load %arg4[%swap3A, %swap3A_231] : memref<1024x3xf32, #tpu.memory_space<vmem>>, vector<1024x3xf32>
    tpu.vector_store %arg4[%swap3A, %swap3A_231], %concatenate3A {strides = array<i32>} : memref<1024x3xf32, #tpu.memory_space<vmem>>, vector<1024x3xf32>,
    return
  }
  func.func @transform_0(%arg0: i32) -> (i32, i32) {
    %c0_i32 = arith.constant 0 : i32
    %c0_i32_0 = arith.constant 0 : i32
    return %arg0, %c0_i32 : i32, i32
  }
  func.func @transform_1(%arg0: i32) -> (i32, i32) {
    %c0_i32 = arith.constant 0 : i32
    %c0_i32_0 = arith.constant 0 : i32
    return %arg0, %c0_i32 : i32, i32
  }
  func.func @transform_2(%arg0: i32) -> (i32, i32) {
    %c0_i32 = arith.constant 0 : i32
    %c0_i32_0 = arith.constant 0 : i32
    return %arg0, %c0_i32 : i32, i32
  }
  func.func @transform_3(%arg0: i32) -> (i32, i32) {
    %c0_i32 = arith.constant 0 : i32
    %c0_i32_0 = arith.constant 0 : i32
    return %arg0, %c0_i32 : i32, i32
  }
}

</mosaic_0001>

<sc_bundles>
// kernel: kernel.5.cloned.1.call-start
scs
__scs_entry_jumppad:
0x0: {  	(pc) =	sbr.rel $0x88, $3  }
0x1: {  	(tag) =	ssettag $0x0;
	lr =	simm.s32 $0x1  }
0x2: {  	[smem:$0x3F9C] =	sst lr;
	_ =	strace $0xD0000000  }
0x3: {  	_ = 	snop  }
0x4: {  	_ = 	snop  }
0x5: {  	_ = 	snop  }
0x6: {  	_ = 	snop  }
0x7: {  	_ = 	snop  }
__scs_overlays_trampoline_lowered:
0x8: {  	[smem:$0x3FAB] =	sst s0  }
0x9: {  	[smem:$0x3FAC] =	sst s1  }
0xa: {  	[smem:$0x3FAD] =	sst s2  }
0xb: {  	[smem:$0x3FAE] =	sst s3  }
0xc: {  	[smem:$0x3FAF] =	sst s4  }
0xd: {  	[smem:$0x3FB0] =	sst s5  }
0xe: {  	[smem:$0x3FB1] =	sst s6  }
0xf: {  	[smem:$0x3FB2] =	sst s7  }
0x10: {  	[smem:$0x3FB3] =	sst s8  }
0x11: {  	[smem:$0x3FB4] =	sst s9;
	s0 =	simm.s32 @!p0 $0x0  }
0x12: {  	s1 =	sld [smem:$0x3F9A];
	s0 =	simm.s32 @p0 $0x1  }
0x13: {  	[smem:$0x3FB5] =	sst s0;
	s0 =	simm.s32 @!p1 $0x0  }
0x14: {  	s2 =	sld [smem:$0x3F99];
	s0 =	simm.s32 @p1 $0x1  }
0x15: {  	[smem:$0x3FB6] =	sst s0;
	s0 =	simm.s32 @!p2 $0x0  }
0x16: {  	s3 =	sld [smem:$0x3FDB];
	s0 =	simm.s32 @p2 $0x1  }
0x17: {  	s4 =	simm.s32 $0x1BF5;
	[smem:$0x3FB8] =	sst s0  }
0x18: {  	s0 =	sld [smem:$0x3F9B];
	_ =	swait.ge [sflag:s4], $0x0  }
0x19: {  	s7 =	sld [smem:$0x3F9C]  }
0x1a: {  	s8 =	sadd.s32 $0xFFFFE003, lr  }
0x1b: {  	s9 =	sadd.s32 $0xFFFFFEF7, lr;
	s5 =	simm.s32 $0xFFFFFFFF;
	p2 =	slt.u32 s8, $0xFFFFF086  }
0x1c: {  	p1 =	slt.u32 s9, $0xF7A;
	s5 =	simm.s32 @!p2 $0x0  }
0x1d: {  	s5 =	simm.s32 @p1 $0x1;
	p0 =	seq.s32 s7, s2  }
0x1e: {  	s7 =	smul.u32 @!p0 $0xF7A, s2;
	p2 =	seq.s32 @!p0 s5, $0x0  }
0x1f: {  	s9 =	smul.u32 $0xF7A, s1;
	s8 =	simm.s32 @!p0 $0x1BF5;
	p2 =	por !p2, p0  }
0x20: {  	[sflag:s8] =	ssyncset.s32 @!p0 $0xFFFFF086;
	s6 =	sadd.s32 @!p0 s3, s7;
	s7 =	simm.s32 @!p0 $0x108  }
0x21: {  	s3 =	sadd.s32 s3, s9;
	s6 =	sadd.s32 @!p0 $0x88, s6;
	s7 =	simm.s32 @p2 $0x1082  }
0x22: {  	[simem:s7], [sflag:s8] =	dma.local @!p0 [hbm:s6], $0xF7A  }
0x23: {  	s9 =	sor.u32 $0xD0000000, s2;
	s6 =	simm.s32 $0x108;
	_ =	swait.ge @!p0 [sflag:s8], $0x0  }
0x24: {  	s3 =	sadd.s32 $0x88, s3;
	s6 =	simm.s32 @!p1 $0x1082;
	[sflag:s4] =	ssyncset.s32 $0xFFFFF086  }
0x25: {  	[simem:s6], [sflag:s4] =	dma.local [hbm:s3], $0xF7A  }
0x26: {  	[smem:$0x3F9C] =	sst s1;
	(tag) =	ssettag s2;
	_ =	strace s9  }
0x27: {  	s1 =	sld [smem:$0x3FAC]  }
0x28: {  	s2 =	sld [smem:$0x3FAD]  }
0x29: {  	s4 =	sld [smem:$0x3FAF]  }
0x2a: {  	p0 =	seq.s32 s5, $0x0;
	s5 =	sld [smem:$0x3FB0]  }
0x2b: {  	s6 =	sld [smem:$0x3FB1]  }
0x2c: {  	s7 =	sld [smem:$0x3FB2]  }
0x2d: {  	s3 =	simm.s32 $0x108;
	s8 =	sld [smem:$0x3FB3]  }
0x2e: {  	s3 =	simm.s32 @!p0 $0x1082;
	s9 =	sld [smem:$0x3FB4]  }
0x2f: {  	lr =	sadd.s32 s0, s3;
	s0 =	sld [smem:$0x3FAB]  }
0x30: {  	s3 =	sld [smem:$0x3FAE]  }
0x31: {  	[smem:$0x3FB7] =	sst s10  }
0x32: {  	s10 =	sld [smem:$0x3FB5];
	_ =	sdelay $0x3  }
0x33: {  	p0 =	seq.s32 s10, $0x1;
	s10 =	sld [smem:$0x3FB7];
	_ =	sdelay $0x3  }
0x34: {  	[smem:$0x3FB7] =	sst s10  }
0x35: {  	s10 =	sld [smem:$0x3FB6];
	_ =	sdelay $0x3  }
0x36: {  	p1 =	seq.s32 s10, $0x1;
	s10 =	sld [smem:$0x3FB7];
	_ =	sdelay $0x3  }
0x37: {  	[smem:$0x3FB7] =	sst s10  }
0x38: {  	s10 =	sld [smem:$0x3FB8]  }
0x39: {  	_ = 	snop;
	(pc) =	sbr.ind lr, $3  }
0x3a: {  	_ = 	snop  }
0x3b: {  	_ = 	snop  }
0x3c: {  	p2 =	seq.s32 s10, $0x1;
	s10 =	sld [smem:$0x3FB7]  }
0x3d: {  	_ =	shalt  }
0x3e: {  	_ =	shalt  }
0x3f: {  	_ =	shalt  }
0x40: {  	_ =	shalt  }
0x41: {  	_ =	shalt  }
0x42: {  	_ =	shalt  }
0x43: {  	_ =	shalt  }
0x44: {  	_ =	shalt  }
0x45: {  	_ =	shalt  }
0x46: {  	_ =	shalt  }
0x47: {  	_ =	shalt  }
0x48: {  	_ =	shalt  }
0x49: {  	_ =	shalt  }
0x4a: {  	_ =	shalt  }
0x4b: {  	_ =	shalt  }
0x4c: {  	_ =	shalt  }
0x4d: {  	_ =	shalt  }
0x4e: {  	_ =	shalt  }
0x4f: {  	_ =	shalt  }
0x50: {  	_ =	shalt  }
0x51: {  	_ =	shalt  }
0x52: {  	_ =	shalt  }
0x53: {  	_ =	shalt  }
0x54: {  	_ =	shalt  }
0x55: {  	_ =	shalt  }
0x56: {  	_ =	shalt  }
0x57: {  	_ =	shalt  }
0x58: {  	_ =	shalt  }
0x59: {  	_ =	shalt  }
0x5a: {  	_ =	shalt  }
0x5b: {  	_ =	shalt  }
0x5c: {  	_ =	shalt  }
0x5d: {  	_ =	shalt  }
0x5e: {  	_ =	shalt  }
0x5f: {  	_ =	shalt  }
0x60: {  	_ =	shalt  }
0x61: {  	_ =	shalt  }
0x62: {  	_ =	shalt  }
0x63: {  	_ =	shalt  }
0x64: {  	_ =	shalt  }
0x65: {  	_ =	shalt  }
0x66: {  	_ =	shalt  }
0x67: {  	_ =	shalt  }
0x68: {  	_ =	shalt  }
0x69: {  	_ =	shalt  }
0x6a: {  	_ =	shalt  }
0x6b: {  	_ =	shalt  }
0x6c: {  	_ =	shalt  }
0x6d: {  	_ =	shalt  }
0x6e: {  	_ =	shalt  }
0x6f: {  	_ =	shalt  }
0x70: {  	_ =	shalt  }
0x71: {  	_ =	shalt  }
0x72: {  	_ =	shalt  }
0x73: {  	_ =	shalt  }
0x74: {  	_ =	shalt  }
0x75: {  	_ =	shalt  }
0x76: {  	_ =	shalt  }
0x77: {  	_ =	shalt  }
0x78: {  	_ =	shalt  }
0x79: {  	_ =	shalt  }
0x7a: {  	_ =	shalt  }
0x7b: {  	_ =	shalt  }
0x7c: {  	_ =	shalt  }
0x7d: {  	_ =	shalt  }
0x7e: {  	_ =	shalt  }
0x7f: {  	_ =	shalt  }
0x80: {  	_ =	shalt  }
0x81: {  	_ =	shalt  }
0x82: {  	_ =	shalt  }
0x83: {  	_ =	shalt  }
0x84: {  	_ =	shalt  }
0x85: {  	_ =	shalt  }
0x86: {  	_ =	shalt  }
0x87: {  	_ =	shalt  }
.Lfunc_end0:
.L_simem_size_0:
called_computation_lowered:
.L_overlay_start_0:
0x88: {  	s2 =	sld [smem:$0x3FD9]  }
0x89: {  	s3 =	sld [smem:$0x3FFE];
	_ =	sdelay $0x1  }
0x8a: {  	s1 =	srdreg.scid  }
0x8b: {  	s0 =	sand.u32 $0x1, s1  }
0x8c: {  	s16 =	sshll.u32 s0, $0xA;
	s2 =	sadd.s32 s3, s2  }
0x8d: {  	s2 =	sadd.s32 s2, s16  }
0x8e: {  	[smem:$0x3FC3] =	sst s2  }
0x8f: {  	_ = 	snop  }
0x90: {  	(tm) =	ssettm $0x1  }
0x91: {  	s17 =	sld [smem:$0x3FFB];
	_ =	sdelay $0x3  }
0x92: {  	_ =	strace s17  }
0x93: {  	s2 =	sld [smem:$0x3FFC];
	_ =	sdelay $0x3  }
0x94: {  	_ =	strace s2  }
0x95: {  	s2 =	sld [smem:$0x3FFD];
	_ =	sdelay $0x3  }
0x96: {  	_ =	strace s2  }
0x97: {  	_ =	strace $0x8FFFFFFF  }
0x98: {  	s18 =	sld [smem:$0x3FDB];
	_ =	sdelay $0x1  }
0x99: {  	s19 =	simm.s32 $_scs_section_size  }
0x9a: {  	s4 =	simm.s32 $_size__tile_overlayer_lowered;
	s5 =	simm.s32 $_tile_overlayer_lowered  }
0x9b: {  	s22 =	simm.s32 $0x1BFF;
	s21 =	sshll.u32 s5, $0x1;
	s2 =	sadd.s32 s19, s18  }
0x9c: {  	s6 =	simm.s32 $0x0;
	s20 =	sshll.u32 s4, $0x1;
	s4 =	sadd.s32 s21, s2  }
0x9d: {  	[timem:s6], [sflag:s22] =	dma.local [hbm:s4], s20  }
0x9e: {  	_ =	swait.ge [sflag:s22], s20  }
0x9f: {  	s3 =	ssub.s32 $0x0, s20;
	[sflag:s22] =	ssyncset.done $0x0  }
0xa0: {  	[sflag:s22] =	ssyncadd.s32 s3;
	_ =	sdelay $0x1  }
0xa1: {  	s23 =	simm.s32 $0x1B8B  }
0xa2: {  	_ =	swait.ge [sflag:s23], $0x1  }
0xa3: {  	[sflag:s23] =	ssyncset.done $0x0  }
0xa4: {  	s25 =	simm.s32 $0x1B8E;
	s24 =	sld [smem:$0x3FFE];
	[sflag:s23] =	ssyncadd.s32 $0xFFFFFFFF  }
0xa5: {  	s26 =	simm.s32 $execute0_lowered;
	[smem:$0x3FD2] =	sst s25  }
0xa6: {  	s4 =	sshll.u32 s26, $0x1;
	_ =	strace $0x80000046;
	[dreg:$0x1] =	wrdreg $0xFFFFFFFF  }
0xa7: {  	s28 =	simm.s32 $_size_execute0_lowered;
	s2 =	sadd.s32 s2, s4;
	[dreg:$0x0] =	wrdreg $0x0  }
0xa8: {  	s4 =	sshll.u32 s28, $0x1;
	[dreg:$0x2] =	wrdreg s2  }
0xa9: {  	[dreg:$0x3] =	wrdreg s4  }
0xaa: {  	[dreg:$0x4] =	wrdreg $0xC0  }
0xab: {  	_ =	task [dreg:s6], $0x5FFFF  }
0xac: {  	[dreg:$0x1] =	wrdreg $0xFFFFFFFF  }
0xad: {  	[dreg:$0x0] =	wrdreg $0x60  }
0xae: {  	[dreg:$0x2] =	wrdreg s24  }
0xaf: {  	[dreg:$0x3] =	wrdreg $0x9  }
0xb0: {  	_ =	task.clear_ibuf [dreg:s6], $0x4FFFF;
	_ =	strace $0x90000046  }
0xb1: {  	s29 =	simm.s32 $0x9;
	_ =	strace $0x80000048  }
0xb2: {  	_ =	swait.ge [sflag:s29], $0x1  }
0xb3: {  	[sflag:s29] =	ssyncadd.s32 $0xFFFFFFFF  }
0xb4: {  	_ =	strace $0x90000048  }
0xb5: {  	_ =	sfence  }
0xb6: {  	s30 =	sld [smem:$0x0];
	_ =	sdelay $0x2  }
0xb7: {  	s31 =	sshll.u32 s1, $0xD;
	s1 =	sshrl.u32 s1, $0x2  }
0xb8: {  	s3 =	sand.u32 $0x4000, s31;
	s1 =	sadd.s32 s1, s30  }
0xb9: {  	s0 =	sor.u32 s3, s0;
	s1 =	sshll.u32 s1, $0x11  }
0xba: {  	s0 =	sor.u32 s1, s0  }
0xbb: {  	s0 =	sadd.s32 $0x8F2B, s0  }
0xbc: {  	[sflag:s0] =	ssyncadd.remote.s32 $0x1  }
0xbd: {  	_ =	sfence.sel $0xFFFF  }
0xbe: {  	[dreg:$0x0] =	wrdreg $0xFFFFFFFF;
	(pc) =	sbr.abs _section_cstart, $3  }
0xbf: {  	[dreg:$0x1] =	wrdreg $0xFFFFFFFF  }
0xc0: {  	_ =	task.clear_ibuf [dreg:s6], $0x2FFFF;
	_ =	strace $0x9FFFFFFF  }
0xc1: {  	(tm) =	ssettm $0x7FFFFFFF  }
tec
execute0_lowered:
.L_overlay_start_1:
0x0: {  	(tag) =	ssettag $0x1  }
0x1: {  	s4 =	rddreg [dreg:$0x0]  }
0x2: {  	s0 =	rddreg [dreg:$0x1]  }
0x3: {  	s2 =	simm.s32 $0x0;
	s3 =	srdreg.scid;
	s1 =	stileid.u32  }
0x4: {  	s9 =	simm.s32 $0x1800;
	s10 =	simm.s32 $0x1;
	s11 =	simm.s32 $0x0  }
0x5: {  	s3 =	sand.u32 $0x1, s3;
	s5 =	sshll.u32 s1, $0x1;
	s6 =	smul.u32 $0x180000, s1  }
0x6: {  	[smem:$0x7FF] =	sst s2;
	s5 =	sor.u32 s3, s5;
	s7 =	smul.u32 $0xC0000, s3  }
0x7: {  	_ =	strace $0x80000047;
	s8 =	ssub.s32 $0x2, s3;
	s5 =	smul.u32 $0x300, s5  }
0x8: {  	s3 =	sadd.s32 $0xD8A00, s4;
	s31 =	sshrl.u32 s8, $0x1;
	s6 =	sadd.s32 s7, s6  }
0x9: {  	s7 =	ssub.s32 s8, s31;
	s5 =	sadd.s32 s5, s4;
	s6 =	sshrl.u32 s6, $0x3  }
0xa: {  	s8 =	simm.s32 $0x80;
	s6 =	sadd.s32 s6, s4;
	s4 =	sadd.s32 $0xD2A00, s5  }
0xb: {  	s5 =	smax.u32 s7, $0x1;
	s7 =	simm.s32 $0x2;
	s6 =	sadd.s32 $0x1D2A00, s6  }
.LBB2_1:
0xc: {  	[tilespmem:s2], [sflag:$0x2] =	stream.linear.gather [hbm4b:s4+s2], $0x1800, $0x38;
	[tilespmem:$0x5800] =	vst v63  }
0xd: {  	_ =	swait.ge [sflag:s7], $0x1800  }
0xe: {  	[sflag:s7] =	ssyncset.done $0x0  }
0xf: {  	s12 =	simm.s32 $0x0;
	[sflag:s7] =	ssyncadd.s32 $0xFFFFE800  }
0x10: {  	[tilespmem:s9], [sflag:$0x1] =	stream.indirect.gather [hbm4b:s3+s8], $0x80, s12, s8, $0xb8;
	[tilespmem:$0x5800] =	vst v63  }
0x11: {  	_ =	swait.ge [sflag:s10], $0x4000  }
0x12: {  	[sflag:s10] =	ssyncset.done $0x0  }
0x13: {  	[sflag:s10] =	ssyncadd.s32 $0xFFFFC000  }
0x14: {  	[hbm4b:s6+s2] =	stream.linear.scatter [tilespmem:s9], [sflag:$0x2], $0x4000, $0x38;
	[tilespmem:$0x5800] =	vst v63  }
0x15: {  	s13 =	simm.s32 $0x200;
	_ =	swait.ge [sflag:s7], $0x4000  }
0x16: {  	s14 =	simm.s32 $0x400;
	s12 =	sadd.s32 $0x800, s6;
	[sflag:s7] =	ssyncset.done $0x0  }
.LBB2_2:
0x17: {  	s15 =	sshra.s32 s13, $0x2  }
0x18: {  	[sflag:s7] =	ssyncadd.s32 $0xFFFFC000;
	s13 =	smov.u32 s14;
	s16 =	sadd.s32 $0x200, s14  }
0x19: {  	[tilespmem:s9], [sflag:$0x1] =	stream.indirect.gather [hbm4b:s3+s8], $0x80, s15, s8, $0xb8;
	[tilespmem:$0x5800] =	vst v63  }
0x1a: {  	p0 =	sne.s32 s14, $0x5E00;
	_ =	swait.ge [sflag:s10], $0x4000  }
.Ltmp0:
0x1b: {  	[sflag:s10] =	ssyncset.done $0x0;
	(pc) =	sbr.rel @p0 .LBB2_2-.Ltmp0, $4  }
0x1c: {  	[sflag:s10] =	ssyncadd.s32 $0xFFFFC000  }
0x1d: {  	[hbm4b:s12+s2] =	stream.linear.scatter [tilespmem:s9], [sflag:$0x2], $0x4000, $0x38;
	[tilespmem:$0x5800] =	vst v63  }
0x1e: {  	_ =	swait.ge [sflag:s7], $0x4000  }
0x1f: {  	s14 =	smov.u32 s16;
	s12 =	sadd.s32 $0x800, s12;
	[sflag:s7] =	ssyncset.done $0x0  }
0x20: {  	s13 =	sshra.s32 s13, $0x2;
	[sflag:s7] =	ssyncadd.s32 $0xFFFFC000  }
0x21: {  	[tilespmem:s9], [sflag:$0x1] =	stream.indirect.gather [hbm4b:s3+s8], $0x80, s13, s8, $0xb8;
	[tilespmem:$0x5800] =	vst v63  }
0x22: {  	s11 =	sadd.s32 $0x1, s11;
	_ =	swait.ge [sflag:s10], $0x4000  }
0x23: {  	p0 =	sne.s32 s11, s5;
	[sflag:s10] =	ssyncset.done $0x0  }
.Ltmp1:
0x24: {  	[sflag:s10] =	ssyncadd.s32 $0xFFFFC000;
	(pc) =	sbr.rel @p0 .LBB2_1-.Ltmp1, $4  }
0x25: {  	[hbm4b:s12+s2] =	stream.linear.scatter [tilespmem:s9], [sflag:$0x2], $0x4000, $0x38;
	[tilespmem:$0x5800] =	vst v63  }
0x26: {  	_ =	swait.ge [sflag:s7], $0x4000  }
0x27: {  	[sflag:s7] =	ssyncset.done $0x0  }
0x28: {  	[sflag:s7] =	ssyncadd.s32 $0xFFFFC000  }
0x29: {  	_ =	sfence.sel $0x180000  }
0x2a: {  	[bflag:$0x0] =	sbarrier.arrive $0xFFFF  }
0x2b: {  	p0 =	sne.s32 s1, $0x0;
	_ =	strace $0x90000047  }
0x2c: {  	s0 =	sadd.s32 @!p0 $0x100000, s0;
	[bflag:$0x2] =	sbarrier.arrive $0xFFFF  }
0x2d: {  	[sflag:s0] =	ssyncadd.tile.s32 @!p0 $0x1;
	_ =	shalt  }
.Lfunc_end2:
_tile_overlayer_lowered:
.L_overlay_start_2:
0x2e: {  	(tag) =	ssettag $0x2  }
0x2f: {  	s0 =	rddreg [dreg:$0x0];
	s2 =	stileid.u32  }
0x30: {  	s1 =	rddreg [dreg:$0x1];
	p0 =	sne.s32 s2, $0x0  }
0x31: {  	s3 =	rddreg [dreg:$0x2];
	[bflag:$0x3] =	sbarrier.arrive $0xFFFF;
	s2 =	simm.s32 @!p0 $0x1C02  }
0x32: {  	[timem:s3], [sflag:s2] =	dma.local @!p0 [hbm:s0], s1  }
0x33: {  	s0 =	simm.s32 @!p0 $0x2  }
0x34: {  	_ =	swait.ge @!p0 [sflag:s0], s1  }
0x35: {  	s1 =	ssub.s32 @!p0 $0x0, s1;
	[sflag:s0] =	ssyncset.done @!p0 $0x0  }
0x36: {  	[sflag:s0] =	ssyncadd.s32 @!p0 s1  }
0x37: {  	[bflag:$0x3] =	sbarrier.arrive $0xFFFF  }
0x38: {  	_ =	shalt  }

</sc_bundles>
